<compile_context>
chip_gen: v7x
topology: tpu7x:2x2x1
jax: 0.10.2.dev20260603
libtpu: 0.0.44.dev20260713+nightly
codegen_flags: <defaults>
</compile_context>

<pallas_src>
import functools

import jax
import jax.numpy as jnp
from jax import lax
from jax.experimental import pallas as pl
from jax.experimental.pallas import tpu as pltpu
from jax.experimental.pallas import tpu_sc as plsc

NC = 2
NS = 16
NW = NC * NS
K = 128
DEGW = 16
NBUF = 4


def _mesh():
    return plsc.VectorSubcoreMesh(
        core_axis_name="c", subcore_axis_name="s", num_cores=NC, num_subcores=NS
    )


def _fill_rows(ref, n_rows, n_lane_groups, value):
    vec = jnp.full((16,), value, jnp.float32)

    def body(i, _):
        for j in range(n_lane_groups):
            ref[i, pl.ds(16 * j, 16)] = vec
        return 0

    lax.fori_loop(0, n_rows, body, 0)


def _deg_call(dst_e, npad, chunks):
    rt = npad // NS

    @functools.partial(
        pl.kernel,
        out_type=jax.ShapeDtypeStruct((NC * npad, DEGW), jnp.float32),
        mesh=_mesh(),
        scratch_types=[
            pltpu.VMEM_SHARED((npad, DEGW), jnp.float32),
            pltpu.VMEM((K,), jnp.int32),
            pltpu.VMEM((K, DEGW), jnp.float32),
            pltpu.VMEM((rt, DEGW), jnp.float32),
        ],
    )
    def deg_k(dst_hbm, degpart_hbm, deg_sh, idx_v, ones_v, z_v):
        c = lax.axis_index("c")
        s = lax.axis_index("s")
        w = c * NS + s
        _fill_rows(z_v, rt, DEGW // 16, 0.0)
        pltpu.sync_copy(z_v, deg_sh.at[pl.ds(s * rt, rt)])
        _fill_rows(ones_v, K, DEGW // 16, 1.0)
        plsc.subcore_barrier()

        base = w * chunks * K

        def body(i, _):
            pltpu.sync_copy(dst_hbm.at[pl.ds(base + i * K, K)], idx_v)
            pltpu.sync_copy(ones_v, deg_sh.at[idx_v], add=True)
            return 0

        lax.fori_loop(0, chunks, body, 0)
        plsc.subcore_barrier()
        pltpu.sync_copy(
            deg_sh.at[pl.ds(s * rt, rt)],
            degpart_hbm.at[pl.ds(c * npad + s * rt, rt)],
        )

    return deg_k(dst_e)


def _linear_scale_call(x, w_mat, degpart, npad):
    n, _ = x.shape
    d_out = w_mat.shape[0]
    dh = d_out // NC
    rb = 512
    grid = npad // rb
    dp3 = degpart.reshape(NC, npad, DEGW)

    def body(x_ref, w_ref, dp_ref, g_ref):
        i = pl.program_id(0)
        h = lax.dot_general(
            x_ref[...], w_ref[...], (((1,), (1,)), ((), ())),
            preferred_element_type=jnp.float32,
        )
        deg = dp_ref[0, :, 0:1] + dp_ref[1, :, 0:1]
        dis = lax.rsqrt(deg)
        rows = i * rb + lax.broadcasted_iota(jnp.int32, (rb, 1), 0)
        g = jnp.where(rows < n, h * dis, 0.0)
        for c in range(NC):
            g_ref[c] = g[:, c * dh:(c + 1) * dh]

    return pl.pallas_call(
        body,
        grid=(grid,),
        in_specs=[
            pl.BlockSpec((rb, x.shape[1]), lambda i: (i, 0)),
            pl.BlockSpec((d_out, w_mat.shape[1]), lambda i: (0, 0)),
            pl.BlockSpec((NC, rb, DEGW), lambda i: (0, i, 0)),
        ],
        out_specs=pl.BlockSpec((NC, rb, dh), lambda i: (0, i, 0)),
        out_shape=jax.ShapeDtypeStruct((NC, npad, dh), jnp.float32),
    )(x, w_mat, dp3)


def _scatter_call(g2, src3a, src3b, dst3, npad, per_tile_chunks):
    dh = g2.shape[1]
    rt = npad // NS
    pc = per_tile_chunks

    @functools.partial(
        pl.kernel,
        out_type=jax.ShapeDtypeStruct((NC * npad, dh), jnp.float32),
        mesh=_mesh(),
        scratch_types=(
            [
                pltpu.VMEM_SHARED((npad, dh), jnp.float32),
                pltpu.VMEM((pc, 1, K), jnp.int32),
                pltpu.VMEM((pc, 1, K), jnp.int32),
            ]
            + [pltpu.VMEM((K, dh), jnp.float32) for _ in range(NBUF)]
            + [pltpu.SemaphoreType.DMA for _ in range(NBUF)]
        ),
        compiler_params=pltpu.CompilerParams(use_tc_tiling_on_sc=False),
    )
    def acc_k(g_hbm, sa_hbm, sb_hbm, d_hbm, accpart_hbm, acc_sh, sidx_v,
              didx_v, *bufs):
        rows_v = bufs[:NBUF]
        sems = bufs[NBUF:]
        c = lax.axis_index("c")
        s = lax.axis_index("s")
        _fill_rows(rows_v[0], K, dh // 16, 0.0)
        for j in range(rt // K):
            pltpu.sync_copy(rows_v[0], acc_sh.at[pl.ds(s * rt + j * K, K)])
        plsc.subcore_barrier()

        base = s * pc
        @pl.when(c == 0)
        def _():
            pltpu.sync_copy(sa_hbm.at[pl.ds(base, pc)], sidx_v)

        @pl.when(c != 0)
        def _():
            pltpu.sync_copy(sb_hbm.at[pl.ds(base, pc)], sidx_v)

        pltpu.sync_copy(d_hbm.at[pl.ds(base, pc)], didx_v)

        for r in range(NBUF):
            pltpu.async_copy(g_hbm.at[sidx_v.at[r, 0]], rows_v[r], sems[r])

        def body(i, _):
            for r in range(NBUF):
                ch = i * NBUF + r
                pltpu.make_async_copy(
                    g_hbm.at[sidx_v.at[ch, 0]], rows_v[r], sems[r]
                ).wait()
                pltpu.sync_copy(rows_v[r], acc_sh.at[didx_v.at[ch, 0]],
                                add=True)

                @pl.when(ch + NBUF < pc)
                def _():
                    pltpu.async_copy(g_hbm.at[sidx_v.at[ch + NBUF, 0]],
                                     rows_v[r], sems[r])
            return 0

        lax.fori_loop(0, pc // NBUF, body, 0)
        plsc.subcore_barrier()
        pltpu.sync_copy(
            acc_sh.at[pl.ds(s * rt, rt)],
            accpart_hbm.at[pl.ds(c * npad + s * rt, rt)],
        )

    return acc_k(g2, src3a, src3b, dst3)


def _combine_call(accpart, degpart, b, n, npad):
    dh = accpart.shape[1]
    d = NC * dh
    rb = 1000
    grid = -(-n // rb)
    ap3 = accpart.reshape(NC, npad, dh)
    dp3 = degpart.reshape(NC, npad, DEGW)
    b2 = b.reshape(1, d)

    def body(ap_ref, dp_ref, b_ref, o_ref):
        deg = dp_ref[0, :, 0:1] + dp_ref[1, :, 0:1]
        dis = lax.rsqrt(deg)
        for c in range(NC):
            o_ref[:, c * dh:(c + 1) * dh] = (
                ap_ref[c] * dis + b_ref[:, c * dh:(c + 1) * dh]
            )

    return pl.pallas_call(
        body,
        grid=(grid,),
        in_specs=[
            pl.BlockSpec((NC, rb, dh), lambda i: (0, i, 0)),
            pl.BlockSpec((NC, rb, DEGW), lambda i: (0, i, 0)),
            pl.BlockSpec((1, d), lambda i: (0, 0)),
        ],
        out_specs=pl.BlockSpec((rb, d), lambda i: (i, 0)),
        out_shape=jax.ShapeDtypeStruct((n, d), jnp.float32),
    )(ap3, dp3, b2)


def kernel(x, edge_index, W, b):
    n = x.shape[0]
    e = edge_index.shape[1]
    src = edge_index[0].astype(jnp.int32)
    dst = edge_index[1].astype(jnp.int32)
    loop = jnp.arange(n, dtype=jnp.int32)
    src_e = jnp.concatenate([src, loop])
    dst_e = jnp.concatenate([dst, loop])
    e_ext = e + n
    tchunks = -(-(-(-e_ext // K)) // (NS * NBUF)) * (NS * NBUF)
    e_pad = tchunks * K
    src_e = jnp.pad(src_e, (0, e_pad - e_ext), constant_values=n)
    dst_e = jnp.pad(dst_e, (0, e_pad - e_ext), constant_values=n)
    npad = -(-(n + 1) // (NS * K)) * (NS * K)
    src3a = src_e.reshape(-1, 1, K)
    src3b = src3a + npad
    dst3 = dst_e.reshape(-1, 1, K)

    degpart = _deg_call(dst_e, npad, tchunks // NW)
    g2 = _linear_scale_call(x, W, degpart, npad)
    accpart = _scatter_call(
        g2.reshape(NC * npad, -1), src3a, src3b, dst3, npad, tchunks // NS
    )
    return _combine_call(accpart, degpart, b, n, npad)

# --- scband reference (transcript-rebuilt; emitter-appended) ---
"""Pipeline reference for scband-linear-encoder-12472585028062 (READ-ONLY COPY).

The authoritative reference and input builder live on the scoring server;
editing this copy changes nothing except your own understanding.
"""

import jax, jax.numpy as jnp
import numpy as np

N_NODES = 10000
N_EDGES = 320000
D_IN = 128
D_OUT = 128


def setup_inputs(seed: int = 0) -> dict:
    key = jax.random.key(seed)
    k1, k2, k3, k4 = jax.random.split(key, 4)
    x = jax.random.normal(k1, (N_NODES, D_IN), dtype=jnp.float32)
    edge_index = jax.random.randint(k2, (2, N_EDGES), 0, N_NODES, dtype=jnp.int64)
    # GCNConv linear weight (PyG stores as [out_channels, in_channels], applied as x @ W.T)
    lim = 1.0 / np.sqrt(D_IN)
    W = jax.random.uniform(k3, (D_OUT, D_IN), dtype=jnp.float32, minval=-lim, maxval=lim)
    b = jnp.zeros((D_OUT,), dtype=jnp.float32)
    return {"x": x, "edge_index": edge_index, "W": W, "b": b}


def reference(x, edge_index, W, b):
    # LinearEncoder.forward in eval mode: F.dropout(training=False) is identity,
    # then GCNConv(x, edge_index) with add_self_loops=True and symmetric normalization.
    N = x.shape[0]
    src = edge_index[0]
    dst = edge_index[1]
    loop = jnp.arange(N, dtype=edge_index.dtype)
    src = jnp.concatenate([src, loop])
    dst = jnp.concatenate([dst, loop])
    # degree on destination nodes (edge_weight = 1)
    deg = jnp.zeros((N,), dtype=x.dtype).at[dst].add(1.0)
    deg_inv_sqrt = jnp.where(deg > 0, deg ** -0.5, 0.0)
    norm = deg_inv_sqrt[src] * deg_inv_sqrt[dst]
    # linear transform
    h = x @ W.T
    # message passing: gather at src, scale by norm, scatter-add at dst
    msg = h[src] * norm[:, None]
    out = jnp.zeros((N, h.shape[1]), dtype=h.dtype).at[dst].add(msg)
    return out + b

if __name__ == "__main__":
    import jax
    _d = setup_inputs()
    print(jax.jit(kernel)(*tuple(_d.values())))

</pallas_src>

<mosaic_0001>
#map = affine_map<(d0, d1) -> (0, 0)>
#map1 = affine_map<(d0, d1) -> (0, 0, 0)>
module attributes {stable_mosaic.version = 14 : i64} {
  func.func @acc_k(%arg0: i32, %arg1: i32, %arg2: memref<20480x64xf32, #tpu.memory_space<hbm>>, %arg3: memref<2624x1x128xi32, #tpu.memory_space<hbm>>, %arg4: memref<2624x1x128xi32, #tpu.memory_space<hbm>>, %arg5: memref<2624x1x128xi32, #tpu.memory_space<hbm>>, %arg6: memref<20480x64xf32, #tpu.memory_space<hbm>>, %arg7: memref<10240x64xf32, #tpu.memory_space<vmem_shared>>, %arg8: memref<164x1x128xi32, #tpu.memory_space<vmem>>, %arg9: memref<164x1x128xi32, #tpu.memory_space<vmem>>, %arg10: memref<128x64xf32, #tpu.memory_space<vmem>>, %arg11: memref<128x64xf32, #tpu.memory_space<vmem>>, %arg12: memref<128x64xf32, #tpu.memory_space<vmem>>, %arg13: memref<128x64xf32, #tpu.memory_space<vmem>>, %arg14: memref<!tpu.dma_semaphore, #tpu.memory_space<semaphore_mem>>, %arg15: memref<!tpu.dma_semaphore, #tpu.memory_space<semaphore_mem>>, %arg16: memref<!tpu.dma_semaphore, #tpu.memory_space<semaphore_mem>>, %arg17: memref<!tpu.dma_semaphore, #tpu.memory_space<semaphore_mem>>) attributes {dimension_semantics = [#tpu.dimension_semantics<core_parallel>, #tpu.dimension_semantics<subcore_parallel>], iteration_bounds = array<i64: 2, 16>, scalar_prefetch = 0 : i64, scratch_operands = 11 : i64, tpu.core_type = #tpu.core_type<sc_vector_subcore>, window_params = [{transform_indices = #map}, {transform_indices = #map1}, {transform_indices = #map1}, {transform_indices = #map1}, {transform_indices = #map}]} {
    %broadcast_in_dim3A = arith.constant 0.000000e+00 : f32
    %broadcast_in_dim3A_0 = vector.broadcast %broadcast_in_dim3A : f32 to vector<16xf32>
    %scan3A = arith.constant 0 : i32
    %scan3A_1 = arith.constant 0 : i32
    %scan3A_2 = arith.constant 128 : i32
    %scan3A_3 = arith.addi %scan3A_1, %scan3A_2 : i32
    %scan3A_4 = arith.constant 1 : i32
    %scan3A_5 = scf.for %scan3A_79 = %scan3A_1 to %scan3A_3 step %scan3A_4 iter_args(%scan3A_80 = %scan3A) -> (i32)  : i32 {
      %swap3A = arith.index_cast %scan3A_79 : i32 to index
      %swap3A_81 = arith.constant 0 : index
      %swap3A_82 = tpu.vector_load %arg10[%swap3A, %swap3A_81] {strides = array<i32>} : memref<128x64xf32, #tpu.memory_space<vmem>>, vector<1x16xf32>,
      %swap3A_83 = vector.shape_cast %swap3A_82 : vector<1x16xf32> to vector<16xf32>
      %swap3A_84 = vector.shape_cast %broadcast_in_dim3A_0 : vector<16xf32> to vector<1x16xf32>
      tpu.vector_store %arg10[%swap3A, %swap3A_81], %swap3A_84 {strides = array<i32>} : memref<128x64xf32, #tpu.memory_space<vmem>>, vector<1x16xf32>,
      %swap3A_85 = arith.index_cast %scan3A_79 : i32 to index
      %swap3A_86 = arith.constant 16 : index
      %swap3A_87 = tpu.vector_load %arg10[%swap3A_85, %swap3A_86] {strides = array<i32>} : memref<128x64xf32, #tpu.memory_space<vmem>>, vector<1x16xf32>,
      %swap3A_88 = vector.shape_cast %swap3A_87 : vector<1x16xf32> to vector<16xf32>
      %swap3A_89 = vector.shape_cast %broadcast_in_dim3A_0 : vector<16xf32> to vector<1x16xf32>
      tpu.vector_store %arg10[%swap3A_85, %swap3A_86], %swap3A_89 {strides = array<i32>} : memref<128x64xf32, #tpu.memory_space<vmem>>, vector<1x16xf32>,
      %swap3A_90 = arith.index_cast %scan3A_79 : i32 to index
      %swap3A_91 = arith.constant 32 : index
      %swap3A_92 = tpu.vector_load %arg10[%swap3A_90, %swap3A_91] {strides = array<i32>} : memref<128x64xf32, #tpu.memory_space<vmem>>, vector<1x16xf32>,
      %swap3A_93 = vector.shape_cast %swap3A_92 : vector<1x16xf32> to vector<16xf32>
      %swap3A_94 = vector.shape_cast %broadcast_in_dim3A_0 : vector<16xf32> to vector<1x16xf32>
      tpu.vector_store %arg10[%swap3A_90, %swap3A_91], %swap3A_94 {strides = array<i32>} : memref<128x64xf32, #tpu.memory_space<vmem>>, vector<1x16xf32>,
      %swap3A_95 = arith.index_cast %scan3A_79 : i32 to index
      %swap3A_96 = arith.constant 48 : index
      %swap3A_97 = tpu.vector_load %arg10[%swap3A_95, %swap3A_96] {strides = array<i32>} : memref<128x64xf32, #tpu.memory_space<vmem>>, vector<1x16xf32>,
      %swap3A_98 = vector.shape_cast %swap3A_97 : vector<1x16xf32> to vector<16xf32>
      %swap3A_99 = vector.shape_cast %broadcast_in_dim3A_0 : vector<16xf32> to vector<1x16xf32>
      tpu.vector_store %arg10[%swap3A_95, %swap3A_96], %swap3A_99 {strides = array<i32>} : memref<128x64xf32, #tpu.memory_space<vmem>>, vector<1x16xf32>,
      %scan3A_100 = arith.constant 0 : i32
      scf.yield %scan3A_100 : i32
    }
    %scan3A_6 = arith.constant 128 : i32
    %mul3A = arith.constant 640 : i32
    %mul3A_7 = arith.muli %arg1, %mul3A : i32
    %add3A = arith.constant 0 : i32
    %add3A_8 = arith.addi %mul3A_7, %add3A : i32
    "tpu.region"() ({
      %run_scoped3A = tpu.sem_alloc : memref<!tpu.dma_semaphore, #tpu.memory_space<semaphore_mem>>
      %dma_start3A_79 = arith.constant 0 : i32
      %dma_start3A_80 = tpu.memref_slice %arg7[%add3A_8, %dma_start3A_79] : memref<10240x64xf32, #tpu.memory_space<vmem_shared>> -> memref<128x64xf32, #tpu.memory_space<vmem_shared>>
      %dma_start3A_81 = arith.constant 0 : i32
      %dma_start3A_82 = tpu.memref_slice %arg7[%add3A_8, %dma_start3A_81] : memref<10240x64xf32, #tpu.memory_space<vmem_shared>> -> memref<128x64xf32, #tpu.memory_space<vmem_shared>>
      tpu.enqueue_dma source(%arg10 : memref<128x64xf32, #tpu.memory_space<vmem>>) target(%dma_start3A_82 : memref<128x64xf32, #tpu.memory_space<vmem_shared>>) target_semaphore(%run_scoped3A : memref<!tpu.dma_semaphore, #tpu.memory_space<semaphore_mem>>)
      %dma_wait3A = arith.constant 0 : i32
      %dma_wait3A_83 = tpu.memref_slice %arg7[%add3A_8, %dma_wait3A] : memref<10240x64xf32, #tpu.memory_space<vmem_shared>> -> memref<128x64xf32, #tpu.memory_space<vmem_shared>>
      %dma_wait3A_84 = arith.constant 0 : i32
      %dma_wait3A_85 = tpu.memref_slice %arg7[%add3A_8, %dma_wait3A_84] : memref<10240x64xf32, #tpu.memory_space<vmem_shared>> -> memref<128x64xf32, #tpu.memory_space<vmem_shared>>
      tpu.wait_dma2 semaphore(%run_scoped3A : memref<!tpu.dma_semaphore, #tpu.memory_space<semaphore_mem>>) src(%arg10 : memref<128x64xf32, #tpu.memory_space<vmem>>) dst(%dma_wait3A_85 : memref<128x64xf32, #tpu.memory_space<vmem_shared>>)
      tpu.yield
    }) : () -> ()
    %mul3A_9 = arith.constant 640 : i32
    %mul3A_10 = arith.muli %arg1, %mul3A_9 : i32
    %add3A_11 = arith.constant 128 : i32
    %add3A_12 = arith.addi %mul3A_10, %add3A_11 : i32
    "tpu.region"() ({
      %run_scoped3A = tpu.sem_alloc : memref<!tpu.dma_semaphore, #tpu.memory_space<semaphore_mem>>
      %dma_start3A_79 = arith.constant 0 : i32
      %dma_start3A_80 = tpu.memref_slice %arg7[%add3A_12, %dma_start3A_79] : memref<10240x64xf32, #tpu.memory_space<vmem_shared>> -> memref<128x64xf32, #tpu.memory_space<vmem_shared>>
      %dma_start3A_81 = arith.constant 0 : i32
      %dma_start3A_82 = tpu.memref_slice %arg7[%add3A_12, %dma_start3A_81] : memref<10240x64xf32, #tpu.memory_space<vmem_shared>> -> memref<128x64xf32, #tpu.memory_space<vmem_shared>>
      tpu.enqueue_dma source(%arg10 : memref<128x64xf32, #tpu.memory_space<vmem>>) target(%dma_start3A_82 : memref<128x64xf32, #tpu.memory_space<vmem_shared>>) target_semaphore(%run_scoped3A : memref<!tpu.dma_semaphore, #tpu.memory_space<semaphore_mem>>)
      %dma_wait3A = arith.constant 0 : i32
      %dma_wait3A_83 = tpu.memref_slice %arg7[%add3A_12, %dma_wait3A] : memref<10240x64xf32, #tpu.memory_space<vmem_shared>> -> memref<128x64xf32, #tpu.memory_space<vmem_shared>>
      %dma_wait3A_84 = arith.constant 0 : i32
      %dma_wait3A_85 = tpu.memref_slice %arg7[%add3A_12, %dma_wait3A_84] : memref<10240x64xf32, #tpu.memory_space<vmem_shared>> -> memref<128x64xf32, #tpu.memory_space<vmem_shared>>
      tpu.wait_dma2 semaphore(%run_scoped3A : memref<!tpu.dma_semaphore, #tpu.memory_space<semaphore_mem>>) src(%arg10 : memref<128x64xf32, #tpu.memory_space<vmem>>) dst(%dma_wait3A_85 : memref<128x64xf32, #tpu.memory_space<vmem_shared>>)
      tpu.yield
    }) : () -> ()
    %mul3A_13 = arith.constant 640 : i32
    %mul3A_14 = arith.muli %arg1, %mul3A_13 : i32
    %add3A_15 = arith.constant 256 : i32
    %add3A_16 = arith.addi %mul3A_14, %add3A_15 : i32
    "tpu.region"() ({
      %run_scoped3A = tpu.sem_alloc : memref<!tpu.dma_semaphore, #tpu.memory_space<semaphore_mem>>
      %dma_start3A_79 = arith.constant 0 : i32
      %dma_start3A_80 = tpu.memref_slice %arg7[%add3A_16, %dma_start3A_79] : memref<10240x64xf32, #tpu.memory_space<vmem_shared>> -> memref<128x64xf32, #tpu.memory_space<vmem_shared>>
      %dma_start3A_81 = arith.constant 0 : i32
      %dma_start3A_82 = tpu.memref_slice %arg7[%add3A_16, %dma_start3A_81] : memref<10240x64xf32, #tpu.memory_space<vmem_shared>> -> memref<128x64xf32, #tpu.memory_space<vmem_shared>>
      tpu.enqueue_dma source(%arg10 : memref<128x64xf32, #tpu.memory_space<vmem>>) target(%dma_start3A_82 : memref<128x64xf32, #tpu.memory_space<vmem_shared>>) target_semaphore(%run_scoped3A : memref<!tpu.dma_semaphore, #tpu.memory_space<semaphore_mem>>)
      %dma_wait3A = arith.constant 0 : i32
      %dma_wait3A_83 = tpu.memref_slice %arg7[%add3A_16, %dma_wait3A] : memref<10240x64xf32, #tpu.memory_space<vmem_shared>> -> memref<128x64xf32, #tpu.memory_space<vmem_shared>>
      %dma_wait3A_84 = arith.constant 0 : i32
      %dma_wait3A_85 = tpu.memref_slice %arg7[%add3A_16, %dma_wait3A_84] : memref<10240x64xf32, #tpu.memory_space<vmem_shared>> -> memref<128x64xf32, #tpu.memory_space<vmem_shared>>
      tpu.wait_dma2 semaphore(%run_scoped3A : memref<!tpu.dma_semaphore, #tpu.memory_space<semaphore_mem>>) src(%arg10 : memref<128x64xf32, #tpu.memory_space<vmem>>) dst(%dma_wait3A_85 : memref<128x64xf32, #tpu.memory_space<vmem_shared>>)
      tpu.yield
    }) : () -> ()
    %mul3A_17 = arith.constant 640 : i32
    %mul3A_18 = arith.muli %arg1, %mul3A_17 : i32
    %add3A_19 = arith.constant 384 : i32
    %add3A_20 = arith.addi %mul3A_18, %add3A_19 : i32
    "tpu.region"() ({
      %run_scoped3A = tpu.sem_alloc : memref<!tpu.dma_semaphore, #tpu.memory_space<semaphore_mem>>
      %dma_start3A_79 = arith.constant 0 : i32
      %dma_start3A_80 = tpu.memref_slice %arg7[%add3A_20, %dma_start3A_79] : memref<10240x64xf32, #tpu.memory_space<vmem_shared>> -> memref<128x64xf32, #tpu.memory_space<vmem_shared>>
      %dma_start3A_81 = arith.constant 0 : i32
      %dma_start3A_82 = tpu.memref_slice %arg7[%add3A_20, %dma_start3A_81] : memref<10240x64xf32, #tpu.memory_space<vmem_shared>> -> memref<128x64xf32, #tpu.memory_space<vmem_shared>>
      tpu.enqueue_dma source(%arg10 : memref<128x64xf32, #tpu.memory_space<vmem>>) target(%dma_start3A_82 : memref<128x64xf32, #tpu.memory_space<vmem_shared>>) target_semaphore(%run_scoped3A : memref<!tpu.dma_semaphore, #tpu.memory_space<semaphore_mem>>)
      %dma_wait3A = arith.constant 0 : i32
      %dma_wait3A_83 = tpu.memref_slice %arg7[%add3A_20, %dma_wait3A] : memref<10240x64xf32, #tpu.memory_space<vmem_shared>> -> memref<128x64xf32, #tpu.memory_space<vmem_shared>>
      %dma_wait3A_84 = arith.constant 0 : i32
      %dma_wait3A_85 = tpu.memref_slice %arg7[%add3A_20, %dma_wait3A_84] : memref<10240x64xf32, #tpu.memory_space<vmem_shared>> -> memref<128x64xf32, #tpu.memory_space<vmem_shared>>
      tpu.wait_dma2 semaphore(%run_scoped3A : memref<!tpu.dma_semaphore, #tpu.memory_space<semaphore_mem>>) src(%arg10 : memref<128x64xf32, #tpu.memory_space<vmem>>) dst(%dma_wait3A_85 : memref<128x64xf32, #tpu.memory_space<vmem_shared>>)
      tpu.yield
    }) : () -> ()
    %mul3A_21 = arith.constant 640 : i32
    %mul3A_22 = arith.muli %arg1, %mul3A_21 : i32
    %add3A_23 = arith.constant 512 : i32
    %add3A_24 = arith.addi %mul3A_22, %add3A_23 : i32
    "tpu.region"() ({
      %run_scoped3A = tpu.sem_alloc : memref<!tpu.dma_semaphore, #tpu.memory_space<semaphore_mem>>
      %dma_start3A_79 = arith.constant 0 : i32
      %dma_start3A_80 = tpu.memref_slice %arg7[%add3A_24, %dma_start3A_79] : memref<10240x64xf32, #tpu.memory_space<vmem_shared>> -> memref<128x64xf32, #tpu.memory_space<vmem_shared>>
      %dma_start3A_81 = arith.constant 0 : i32
      %dma_start3A_82 = tpu.memref_slice %arg7[%add3A_24, %dma_start3A_81] : memref<10240x64xf32, #tpu.memory_space<vmem_shared>> -> memref<128x64xf32, #tpu.memory_space<vmem_shared>>
      tpu.enqueue_dma source(%arg10 : memref<128x64xf32, #tpu.memory_space<vmem>>) target(%dma_start3A_82 : memref<128x64xf32, #tpu.memory_space<vmem_shared>>) target_semaphore(%run_scoped3A : memref<!tpu.dma_semaphore, #tpu.memory_space<semaphore_mem>>)
      %dma_wait3A = arith.constant 0 : i32
      %dma_wait3A_83 = tpu.memref_slice %arg7[%add3A_24, %dma_wait3A] : memref<10240x64xf32, #tpu.memory_space<vmem_shared>> -> memref<128x64xf32, #tpu.memory_space<vmem_shared>>
      %dma_wait3A_84 = arith.constant 0 : i32
      %dma_wait3A_85 = tpu.memref_slice %arg7[%add3A_24, %dma_wait3A_84] : memref<10240x64xf32, #tpu.memory_space<vmem_shared>> -> memref<128x64xf32, #tpu.memory_space<vmem_shared>>
      tpu.wait_dma2 semaphore(%run_scoped3A : memref<!tpu.dma_semaphore, #tpu.memory_space<semaphore_mem>>) src(%arg10 : memref<128x64xf32, #tpu.memory_space<vmem>>) dst(%dma_wait3A_85 : memref<128x64xf32, #tpu.memory_space<vmem_shared>>)
      tpu.yield
    }) : () -> ()
    %barrier3A = arith.constant 0 : index
    tpu.barrier barrier_id(%barrier3A)
    %mul3A_25 = arith.constant 164 : i32
    %mul3A_26 = arith.muli %arg1, %mul3A_25 : i32
    %eq3A = arith.constant 0 : i32
    %eq3A_27 = arith.cmpi eq, %arg0, %eq3A : i32
    %convert_element_type3A = arith.extui %eq3A_27 : i1 to i32
    %cond3A = arith.constant 0 : i32
    %cond3A_28 = arith.cmpi ne, %convert_element_type3A, %cond3A : i32
    scf.if %cond3A_28 {
      "tpu.region"() ({
        %run_scoped3A = tpu.sem_alloc : memref<!tpu.dma_semaphore, #tpu.memory_space<semaphore_mem>>
        %dma_start3A_79 = arith.constant 0 : i32
        %dma_start3A_80 = arith.constant 0 : i32
        %dma_start3A_81 = tpu.memref_slice %arg3[%mul3A_26, %dma_start3A_79, %dma_start3A_80] : memref<2624x1x128xi32, #tpu.memory_space<hbm>> -> memref<164x1x128xi32, #tpu.memory_space<hbm>>
        %dma_start3A_82 = arith.constant 0 : i32
        %dma_start3A_83 = arith.constant 0 : i32
        %dma_start3A_84 = tpu.memref_slice %arg3[%mul3A_26, %dma_start3A_82, %dma_start3A_83] : memref<2624x1x128xi32, #tpu.memory_space<hbm>> -> memref<164x1x128xi32, #tpu.memory_space<hbm>>
        tpu.enqueue_dma source(%dma_start3A_84 : memref<164x1x128xi32, #tpu.memory_space<hbm>>) target(%arg8 : memref<164x1x128xi32, #tpu.memory_space<vmem>>) target_semaphore(%run_scoped3A : memref<!tpu.dma_semaphore, #tpu.memory_space<semaphore_mem>>)
        %dma_wait3A = arith.constant 0 : i32
        %dma_wait3A_85 = arith.constant 0 : i32
        %dma_wait3A_86 = tpu.memref_slice %arg3[%mul3A_26, %dma_wait3A, %dma_wait3A_85] : memref<2624x1x128xi32, #tpu.memory_space<hbm>> -> memref<164x1x128xi32, #tpu.memory_space<hbm>>
        %dma_wait3A_87 = arith.constant 0 : i32
        %dma_wait3A_88 = arith.constant 0 : i32
        %dma_wait3A_89 = tpu.memref_slice %arg3[%mul3A_26, %dma_wait3A_87, %dma_wait3A_88] : memref<2624x1x128xi32, #tpu.memory_space<hbm>> -> memref<164x1x128xi32, #tpu.memory_space<hbm>>
        tpu.wait_dma2 semaphore(%run_scoped3A : memref<!tpu.dma_semaphore, #tpu.memory_space<semaphore_mem>>) src(%dma_wait3A_89 : memref<164x1x128xi32, #tpu.memory_space<hbm>>) dst(%arg8 : memref<164x1x128xi32, #tpu.memory_space<vmem>>)
        tpu.yield
      }) : () -> ()
    } else {
    }
    %ne3A = arith.constant 0 : i32
    %ne3A_29 = arith.cmpi ne, %arg0, %ne3A : i32
    %convert_element_type3A_30 = arith.extui %ne3A_29 : i1 to i32
    %cond3A_31 = arith.constant 0 : i32
    %cond3A_32 = arith.cmpi ne, %convert_element_type3A_30, %cond3A_31 : i32
    scf.if %cond3A_32 {
      "tpu.region"() ({
        %run_scoped3A = tpu.sem_alloc : memref<!tpu.dma_semaphore, #tpu.memory_space<semaphore_mem>>
        %dma_start3A_79 = arith.constant 0 : i32
        %dma_start3A_80 = arith.constant 0 : i32
        %dma_start3A_81 = tpu.memref_slice %arg4[%mul3A_26, %dma_start3A_79, %dma_start3A_80] : memref<2624x1x128xi32, #tpu.memory_space<hbm>> -> memref<164x1x128xi32, #tpu.memory_space<hbm>>
        %dma_start3A_82 = arith.constant 0 : i32
        %dma_start3A_83 = arith.constant 0 : i32
        %dma_start3A_84 = tpu.memref_slice %arg4[%mul3A_26, %dma_start3A_82, %dma_start3A_83] : memref<2624x1x128xi32, #tpu.memory_space<hbm>> -> memref<164x1x128xi32, #tpu.memory_space<hbm>>
        tpu.enqueue_dma source(%dma_start3A_84 : memref<164x1x128xi32, #tpu.memory_space<hbm>>) target(%arg8 : memref<164x1x128xi32, #tpu.memory_space<vmem>>) target_semaphore(%run_scoped3A : memref<!tpu.dma_semaphore, #tpu.memory_space<semaphore_mem>>)
        %dma_wait3A = arith.constant 0 : i32
        %dma_wait3A_85 = arith.constant 0 : i32
        %dma_wait3A_86 = tpu.memref_slice %arg4[%mul3A_26, %dma_wait3A, %dma_wait3A_85] : memref<2624x1x128xi32, #tpu.memory_space<hbm>> -> memref<164x1x128xi32, #tpu.memory_space<hbm>>
        %dma_wait3A_87 = arith.constant 0 : i32
        %dma_wait3A_88 = arith.constant 0 : i32
        %dma_wait3A_89 = tpu.memref_slice %arg4[%mul3A_26, %dma_wait3A_87, %dma_wait3A_88] : memref<2624x1x128xi32, #tpu.memory_space<hbm>> -> memref<164x1x128xi32, #tpu.memory_space<hbm>>
        tpu.wait_dma2 semaphore(%run_scoped3A : memref<!tpu.dma_semaphore, #tpu.memory_space<semaphore_mem>>) src(%dma_wait3A_89 : memref<164x1x128xi32, #tpu.memory_space<hbm>>) dst(%arg8 : memref<164x1x128xi32, #tpu.memory_space<vmem>>)
        tpu.yield
      }) : () -> ()
    } else {
    }
    "tpu.region"() ({
      %run_scoped3A = tpu.sem_alloc : memref<!tpu.dma_semaphore, #tpu.memory_space<semaphore_mem>>
      %dma_start3A_79 = arith.constant 0 : i32
      %dma_start3A_80 = arith.constant 0 : i32
      %dma_start3A_81 = tpu.memref_slice %arg5[%mul3A_26, %dma_start3A_79, %dma_start3A_80] : memref<2624x1x128xi32, #tpu.memory_space<hbm>> -> memref<164x1x128xi32, #tpu.memory_space<hbm>>
      %dma_start3A_82 = arith.constant 0 : i32
      %dma_start3A_83 = arith.constant 0 : i32
      %dma_start3A_84 = tpu.memref_slice %arg5[%mul3A_26, %dma_start3A_82, %dma_start3A_83] : memref<2624x1x128xi32, #tpu.memory_space<hbm>> -> memref<164x1x128xi32, #tpu.memory_space<hbm>>
      tpu.enqueue_dma source(%dma_start3A_84 : memref<164x1x128xi32, #tpu.memory_space<hbm>>) target(%arg9 : memref<164x1x128xi32, #tpu.memory_space<vmem>>) target_semaphore(%run_scoped3A : memref<!tpu.dma_semaphore, #tpu.memory_space<semaphore_mem>>)
      %dma_wait3A = arith.constant 0 : i32
      %dma_wait3A_85 = arith.constant 0 : i32
      %dma_wait3A_86 = tpu.memref_slice %arg5[%mul3A_26, %dma_wait3A, %dma_wait3A_85] : memref<2624x1x128xi32, #tpu.memory_space<hbm>> -> memref<164x1x128xi32, #tpu.memory_space<hbm>>
      %dma_wait3A_87 = arith.constant 0 : i32
      %dma_wait3A_88 = arith.constant 0 : i32
      %dma_wait3A_89 = tpu.memref_slice %arg5[%mul3A_26, %dma_wait3A_87, %dma_wait3A_88] : memref<2624x1x128xi32, #tpu.memory_space<hbm>> -> memref<164x1x128xi32, #tpu.memory_space<hbm>>
      tpu.wait_dma2 semaphore(%run_scoped3A : memref<!tpu.dma_semaphore, #tpu.memory_space<semaphore_mem>>) src(%dma_wait3A_89 : memref<164x1x128xi32, #tpu.memory_space<hbm>>) dst(%arg9 : memref<164x1x128xi32, #tpu.memory_space<vmem>>)
      tpu.yield
    }) : () -> ()
    %dma_start3A = arith.constant 0 : i32
    %dma_start3A_33 = arith.constant 0 : i32
    %dma_start3A_34 = arith.constant 0 : i32
    %dma_start3A_35 = tpu.memref_slice %arg8[%dma_start3A, %dma_start3A_33, %dma_start3A_34] : memref<164x1x128xi32, #tpu.memory_space<vmem>> -> memref<1x1x128xi32, #tpu.memory_space<vmem>>
    %dma_start3A_36 = tpu.memref_squeeze %dma_start3A_35 : memref<1x1x128xi32, #tpu.memory_space<vmem>> -> memref<128xi32, #tpu.memory_space<vmem>>
    %dma_start3A_37 = arith.constant 0 : i32
    %dma_start3A_38 = arith.constant 0 : i32
    %dma_start3A_39 = tpu.memref_slice %arg2[%dma_start3A_37, %dma_start3A_38] : memref<20480x64xf32, #tpu.memory_space<hbm>> -> memref<20480x64xf32, #tpu.memory_space<hbm>>
    tpu.enqueue_indirect_dma source(%dma_start3A_39 : memref<20480x64xf32, #tpu.memory_space<hbm>>) target(%arg10 : memref<128x64xf32, #tpu.memory_space<vmem>>) offsets(%dma_start3A_36 : memref<128xi32, #tpu.memory_space<vmem>>) semaphore(%arg14 : memref<!tpu.dma_semaphore, #tpu.memory_space<semaphore_mem>>)
    %dma_start3A_40 = arith.constant 1 : i32
    %dma_start3A_41 = arith.constant 0 : i32
    %dma_start3A_42 = arith.constant 0 : i32
    %dma_start3A_43 = tpu.memref_slice %arg8[%dma_start3A_40, %dma_start3A_41, %dma_start3A_42] : memref<164x1x128xi32, #tpu.memory_space<vmem>> -> memref<1x1x128xi32, #tpu.memory_space<vmem>>
    %dma_start3A_44 = tpu.memref_squeeze %dma_start3A_43 : memref<1x1x128xi32, #tpu.memory_space<vmem>> -> memref<128xi32, #tpu.memory_space<vmem>>
    %dma_start3A_45 = arith.constant 0 : i32
    %dma_start3A_46 = arith.constant 0 : i32
    %dma_start3A_47 = tpu.memref_slice %arg2[%dma_start3A_45, %dma_start3A_46] : memref<20480x64xf32, #tpu.memory_space<hbm>> -> memref<20480x64xf32, #tpu.memory_space<hbm>>
    tpu.enqueue_indirect_dma source(%dma_start3A_47 : memref<20480x64xf32, #tpu.memory_space<hbm>>) target(%arg11 : memref<128x64xf32, #tpu.memory_space<vmem>>) offsets(%dma_start3A_44 : memref<128xi32, #tpu.memory_space<vmem>>) semaphore(%arg15 : memref<!tpu.dma_semaphore, #tpu.memory_space<semaphore_mem>>)
    %dma_start3A_48 = arith.constant 2 : i32
    %dma_start3A_49 = arith.constant 0 : i32
    %dma_start3A_50 = arith.constant 0 : i32
    %dma_start3A_51 = tpu.memref_slice %arg8[%dma_start3A_48, %dma_start3A_49, %dma_start3A_50] : memref<164x1x128xi32, #tpu.memory_space<vmem>> -> memref<1x1x128xi32, #tpu.memory_space<vmem>>
    %dma_start3A_52 = tpu.memref_squeeze %dma_start3A_51 : memref<1x1x128xi32, #tpu.memory_space<vmem>> -> memref<128xi32, #tpu.memory_space<vmem>>
    %dma_start3A_53 = arith.constant 0 : i32
    %dma_start3A_54 = arith.constant 0 : i32
    %dma_start3A_55 = tpu.memref_slice %arg2[%dma_start3A_53, %dma_start3A_54] : memref<20480x64xf32, #tpu.memory_space<hbm>> -> memref<20480x64xf32, #tpu.memory_space<hbm>>
    tpu.enqueue_indirect_dma source(%dma_start3A_55 : memref<20480x64xf32, #tpu.memory_space<hbm>>) target(%arg12 : memref<128x64xf32, #tpu.memory_space<vmem>>) offsets(%dma_start3A_52 : memref<128xi32, #tpu.memory_space<vmem>>) semaphore(%arg16 : memref<!tpu.dma_semaphore, #tpu.memory_space<semaphore_mem>>)
    %dma_start3A_56 = arith.constant 3 : i32
    %dma_start3A_57 = arith.constant 0 : i32
    %dma_start3A_58 = arith.constant 0 : i32
    %dma_start3A_59 = tpu.memref_slice %arg8[%dma_start3A_56, %dma_start3A_57, %dma_start3A_58] : memref<164x1x128xi32, #tpu.memory_space<vmem>> -> memref<1x1x128xi32, #tpu.memory_space<vmem>>
    %dma_start3A_60 = tpu.memref_squeeze %dma_start3A_59 : memref<1x1x128xi32, #tpu.memory_space<vmem>> -> memref<128xi32, #tpu.memory_space<vmem>>
    %dma_start3A_61 = arith.constant 0 : i32
    %dma_start3A_62 = arith.constant 0 : i32
    %dma_start3A_63 = tpu.memref_slice %arg2[%dma_start3A_61, %dma_start3A_62] : memref<20480x64xf32, #tpu.memory_space<hbm>> -> memref<20480x64xf32, #tpu.memory_space<hbm>>
    tpu.enqueue_indirect_dma source(%dma_start3A_63 : memref<20480x64xf32, #tpu.memory_space<hbm>>) target(%arg13 : memref<128x64xf32, #tpu.memory_space<vmem>>) offsets(%dma_start3A_60 : memref<128xi32, #tpu.memory_space<vmem>>) semaphore(%arg17 : memref<!tpu.dma_semaphore, #tpu.memory_space<semaphore_mem>>)
    %scan3A_64 = arith.constant 0 : i32
    %scan3A_65 = arith.constant 0 : i32
    %scan3A_66 = arith.constant 41 : i32
    %scan3A_67 = arith.addi %scan3A_65, %scan3A_66 : i32
    %scan3A_68 = arith.constant 1 : i32
    %scan3A_69 = scf.for %scan3A_79 = %scan3A_65 to %scan3A_67 step %scan3A_68 iter_args(%scan3A_80 = %scan3A_64) -> (i32)  : i32 {
      %mul3A_81 = arith.constant 4 : i32
      %mul3A_82 = arith.muli %scan3A_79, %mul3A_81 : i32
      %add3A_83 = arith.constant 0 : i32
      %add3A_84 = arith.addi %mul3A_82, %add3A_83 : i32
      %dma_wait3A = arith.constant 0 : i32
      %dma_wait3A_85 = arith.constant 0 : i32
      %dma_wait3A_86 = tpu.memref_slice %arg8[%add3A_84, %dma_wait3A, %dma_wait3A_85] : memref<164x1x128xi32, #tpu.memory_space<vmem>> -> memref<1x1x128xi32, #tpu.memory_space<vmem>>
      %dma_wait3A_87 = tpu.memref_squeeze %dma_wait3A_86 : memref<1x1x128xi32, #tpu.memory_space<vmem>> -> memref<128xi32, #tpu.memory_space<vmem>>
      %dma_wait3A_88 = arith.constant 0 : i32
      %dma_wait3A_89 = arith.constant 0 : i32
      %dma_wait3A_90 = tpu.memref_slice %arg2[%dma_wait3A_88, %dma_wait3A_89] : memref<20480x64xf32, #tpu.memory_space<hbm>> -> memref<20480x64xf32, #tpu.memory_space<hbm>>
      tpu.wait_indirect_dma semaphore(%arg14 : memref<!tpu.dma_semaphore, #tpu.memory_space<semaphore_mem>>) src(%dma_wait3A_90 : memref<20480x64xf32, #tpu.memory_space<hbm>>) dst(%arg10 : memref<128x64xf32, #tpu.memory_space<vmem>>)
      %run_scoped3A = arith.constant 0 : i32
      "tpu.region"() ({
        %run_scoped3A_155 = tpu.sem_alloc : memref<!tpu.dma_semaphore, #tpu.memory_space<semaphore_mem>>
        %dma_start3A_156 = arith.constant 0 : i32
        %dma_start3A_157 = tpu.memref_slice %arg9[%add3A_84, %run_scoped3A, %dma_start3A_156] : memref<164x1x128xi32, #tpu.memory_space<vmem>> -> memref<1x1x128xi32, #tpu.memory_space<vmem>>
        %dma_start3A_158 = tpu.memref_squeeze %dma_start3A_157 : memref<1x1x128xi32, #tpu.memory_space<vmem>> -> memref<128xi32, #tpu.memory_space<vmem>>
        %dma_start3A_159 = arith.constant 0 : i32
        %dma_start3A_160 = arith.constant 0 : i32
        %dma_start3A_161 = tpu.memref_slice %arg7[%dma_start3A_159, %dma_start3A_160] : memref<10240x64xf32, #tpu.memory_space<vmem_shared>> -> memref<10240x64xf32, #tpu.memory_space<vmem_shared>>
        tpu.enqueue_indirect_dma source(%arg10 : memref<128x64xf32, #tpu.memory_space<vmem>>) target(%dma_start3A_161 : memref<10240x64xf32, #tpu.memory_space<vmem_shared>>) offsets(%dma_start3A_158 : memref<128xi32, #tpu.memory_space<vmem>>) semaphore(%run_scoped3A_155 : memref<!tpu.dma_semaphore, #tpu.memory_space<semaphore_mem>>) {add = true}
        %dma_wait3A_162 = arith.constant 0 : i32
        %dma_wait3A_163 = tpu.memref_slice %arg9[%add3A_84, %run_scoped3A, %dma_wait3A_162] : memref<164x1x128xi32, #tpu.memory_space<vmem>> -> memref<1x1x128xi32, #tpu.memory_space<vmem>>
        %dma_wait3A_164 = tpu.memref_squeeze %dma_wait3A_163 : memref<1x1x128xi32, #tpu.memory_space<vmem>> -> memref<128xi32, #tpu.memory_space<vmem>>
        %dma_wait3A_165 = arith.constant 0 : i32
        %dma_wait3A_166 = arith.constant 0 : i32
        %dma_wait3A_167 = tpu.memref_slice %arg7[%dma_wait3A_165, %dma_wait3A_166] : memref<10240x64xf32, #tpu.memory_space<vmem_shared>> -> memref<10240x64xf32, #tpu.memory_space<vmem_shared>>
        tpu.wait_indirect_dma semaphore(%run_scoped3A_155 : memref<!tpu.dma_semaphore, #tpu.memory_space<semaphore_mem>>) src(%arg10 : memref<128x64xf32, #tpu.memory_space<vmem>>) dst(%dma_wait3A_167 : memref<10240x64xf32, #tpu.memory_space<vmem_shared>>)
        tpu.yield
      }) : () -> ()
      %add3A_91 = arith.constant 4 : i32
      %add3A_92 = arith.addi %add3A_84, %add3A_91 : i32
      %lt3A = arith.constant 164 : i32
      %lt3A_93 = arith.cmpi slt, %add3A_92, %lt3A : i32
      %convert_element_type3A_94 = arith.extui %lt3A_93 : i1 to i32
      %cond3A_95 = arith.constant 0 : i32
      %cond3A_96 = arith.cmpi ne, %convert_element_type3A_94, %cond3A_95 : i32
      scf.if %cond3A_96 {
        %add3A_155 = arith.constant 4 : i32
        %add3A_156 = arith.addi %add3A_84, %add3A_155 : i32
        %dma_start3A_157 = arith.constant 0 : i32
        %dma_start3A_158 = arith.constant 0 : i32
        %dma_start3A_159 = tpu.memref_slice %arg8[%add3A_156, %dma_start3A_157, %dma_start3A_158] : memref<164x1x128xi32, #tpu.memory_space<vmem>> -> memref<1x1x128xi32, #tpu.memory_space<vmem>>
        %dma_start3A_160 = tpu.memref_squeeze %dma_start3A_159 : memref<1x1x128xi32, #tpu.memory_space<vmem>> -> memref<128xi32, #tpu.memory_space<vmem>>
        %dma_start3A_161 = arith.constant 0 : i32
        %dma_start3A_162 = arith.constant 0 : i32
        %dma_start3A_163 = tpu.memref_slice %arg2[%dma_start3A_161, %dma_start3A_162] : memref<20480x64xf32, #tpu.memory_space<hbm>> -> memref<20480x64xf32, #tpu.memory_space<hbm>>
        tpu.enqueue_indirect_dma source(%dma_start3A_163 : memref<20480x64xf32, #tpu.memory_space<hbm>>) target(%arg10 : memref<128x64xf32, #tpu.memory_space<vmem>>) offsets(%dma_start3A_160 : memref<128xi32, #tpu.memory_space<vmem>>) semaphore(%arg14 : memref<!tpu.dma_semaphore, #tpu.memory_space<semaphore_mem>>)
      } else {
      }
      %mul3A_97 = arith.constant 4 : i32
      %mul3A_98 = arith.muli %scan3A_79, %mul3A_97 : i32
      %add3A_99 = arith.constant 1 : i32
      %add3A_100 = arith.addi %mul3A_98, %add3A_99 : i32
      %dma_wait3A_101 = arith.constant 0 : i32
      %dma_wait3A_102 = arith.constant 0 : i32
      %dma_wait3A_103 = tpu.memref_slice %arg8[%add3A_100, %dma_wait3A_101, %dma_wait3A_102] : memref<164x1x128xi32, #tpu.memory_space<vmem>> -> memref<1x1x128xi32, #tpu.memory_space<vmem>>
      %dma_wait3A_104 = tpu.memref_squeeze %dma_wait3A_103 : memref<1x1x128xi32, #tpu.memory_space<vmem>> -> memref<128xi32, #tpu.memory_space<vmem>>
      %dma_wait3A_105 = arith.constant 0 : i32
      %dma_wait3A_106 = arith.constant 0 : i32
      %dma_wait3A_107 = tpu.memref_slice %arg2[%dma_wait3A_105, %dma_wait3A_106] : memref<20480x64xf32, #tpu.memory_space<hbm>> -> memref<20480x64xf32, #tpu.memory_space<hbm>>
      tpu.wait_indirect_dma semaphore(%arg15 : memref<!tpu.dma_semaphore, #tpu.memory_space<semaphore_mem>>) src(%dma_wait3A_107 : memref<20480x64xf32, #tpu.memory_space<hbm>>) dst(%arg11 : memref<128x64xf32, #tpu.memory_space<vmem>>)
      %run_scoped3A_108 = arith.constant 0 : i32
      "tpu.region"() ({
        %run_scoped3A_155 = tpu.sem_alloc : memref<!tpu.dma_semaphore, #tpu.memory_space<semaphore_mem>>
        %dma_start3A_156 = arith.constant 0 : i32
        %dma_start3A_157 = tpu.memref_slice %arg9[%add3A_100, %run_scoped3A_108, %dma_start3A_156] : memref<164x1x128xi32, #tpu.memory_space<vmem>> -> memref<1x1x128xi32, #tpu.memory_space<vmem>>
        %dma_start3A_158 = tpu.memref_squeeze %dma_start3A_157 : memref<1x1x128xi32, #tpu.memory_space<vmem>> -> memref<128xi32, #tpu.memory_space<vmem>>
        %dma_start3A_159 = arith.constant 0 : i32
        %dma_start3A_160 = arith.constant 0 : i32
        %dma_start3A_161 = tpu.memref_slice %arg7[%dma_start3A_159, %dma_start3A_160] : memref<10240x64xf32, #tpu.memory_space<vmem_shared>> -> memref<10240x64xf32, #tpu.memory_space<vmem_shared>>
        tpu.enqueue_indirect_dma source(%arg11 : memref<128x64xf32, #tpu.memory_space<vmem>>) target(%dma_start3A_161 : memref<10240x64xf32, #tpu.memory_space<vmem_shared>>) offsets(%dma_start3A_158 : memref<128xi32, #tpu.memory_space<vmem>>) semaphore(%run_scoped3A_155 : memref<!tpu.dma_semaphore, #tpu.memory_space<semaphore_mem>>) {add = true}
        %dma_wait3A_162 = arith.constant 0 : i32
        %dma_wait3A_163 = tpu.memref_slice %arg9[%add3A_100, %run_scoped3A_108, %dma_wait3A_162] : memref<164x1x128xi32, #tpu.memory_space<vmem>> -> memref<1x1x128xi32, #tpu.memory_space<vmem>>
        %dma_wait3A_164 = tpu.memref_squeeze %dma_wait3A_163 : memref<1x1x128xi32, #tpu.memory_space<vmem>> -> memref<128xi32, #tpu.memory_space<vmem>>
        %dma_wait3A_165 = arith.constant 0 : i32
        %dma_wait3A_166 = arith.constant 0 : i32
        %dma_wait3A_167 = tpu.memref_slice %arg7[%dma_wait3A_165, %dma_wait3A_166] : memref<10240x64xf32, #tpu.memory_space<vmem_shared>> -> memref<10240x64xf32, #tpu.memory_space<vmem_shared>>
        tpu.wait_indirect_dma semaphore(%run_scoped3A_155 : memref<!tpu.dma_semaphore, #tpu.memory_space<semaphore_mem>>) src(%arg11 : memref<128x64xf32, #tpu.memory_space<vmem>>) dst(%dma_wait3A_167 : memref<10240x64xf32, #tpu.memory_space<vmem_shared>>)
        tpu.yield
      }) : () -> ()
      %add3A_109 = arith.constant 4 : i32
      %add3A_110 = arith.addi %add3A_100, %add3A_109 : i32
      %lt3A_111 = arith.constant 164 : i32
      %lt3A_112 = arith.cmpi slt, %add3A_110, %lt3A_111 : i32
      %convert_element_type3A_113 = arith.extui %lt3A_112 : i1 to i32
      %cond3A_114 = arith.constant 0 : i32
      %cond3A_115 = arith.cmpi ne, %convert_element_type3A_113, %cond3A_114 : i32
      scf.if %cond3A_115 {
        %add3A_155 = arith.constant 4 : i32
        %add3A_156 = arith.addi %add3A_100, %add3A_155 : i32
        %dma_start3A_157 = arith.constant 0 : i32
        %dma_start3A_158 = arith.constant 0 : i32
        %dma_start3A_159 = tpu.memref_slice %arg8[%add3A_156, %dma_start3A_157, %dma_start3A_158] : memref<164x1x128xi32, #tpu.memory_space<vmem>> -> memref<1x1x128xi32, #tpu.memory_space<vmem>>
        %dma_start3A_160 = tpu.memref_squeeze %dma_start3A_159 : memref<1x1x128xi32, #tpu.memory_space<vmem>> -> memref<128xi32, #tpu.memory_space<vmem>>
        %dma_start3A_161 = arith.constant 0 : i32
        %dma_start3A_162 = arith.constant 0 : i32
        %dma_start3A_163 = tpu.memref_slice %arg2[%dma_start3A_161, %dma_start3A_162] : memref<20480x64xf32, #tpu.memory_space<hbm>> -> memref<20480x64xf32, #tpu.memory_space<hbm>>
        tpu.enqueue_indirect_dma source(%dma_start3A_163 : memref<20480x64xf32, #tpu.memory_space<hbm>>) target(%arg11 : memref<128x64xf32, #tpu.memory_space<vmem>>) offsets(%dma_start3A_160 : memref<128xi32, #tpu.memory_space<vmem>>) semaphore(%arg15 : memref<!tpu.dma_semaphore, #tpu.memory_space<semaphore_mem>>)
      } else {
      }
      %mul3A_116 = arith.constant 4 : i32
      %mul3A_117 = arith.muli %scan3A_79, %mul3A_116 : i32
      %add3A_118 = arith.constant 2 : i32
      %add3A_119 = arith.addi %mul3A_117, %add3A_118 : i32
      %dma_wait3A_120 = arith.constant 0 : i32
      %dma_wait3A_121 = arith.constant 0 : i32
      %dma_wait3A_122 = tpu.memref_slice %arg8[%add3A_119, %dma_wait3A_120, %dma_wait3A_121] : memref<164x1x128xi32, #tpu.memory_space<vmem>> -> memref<1x1x128xi32, #tpu.memory_space<vmem>>
      %dma_wait3A_123 = tpu.memref_squeeze %dma_wait3A_122 : memref<1x1x128xi32, #tpu.memory_space<vmem>> -> memref<128xi32, #tpu.memory_space<vmem>>
      %dma_wait3A_124 = arith.constant 0 : i32
      %dma_wait3A_125 = arith.constant 0 : i32
      %dma_wait3A_126 = tpu.memref_slice %arg2[%dma_wait3A_124, %dma_wait3A_125] : memref<20480x64xf32, #tpu.memory_space<hbm>> -> memref<20480x64xf32, #tpu.memory_space<hbm>>
      tpu.wait_indirect_dma semaphore(%arg16 : memref<!tpu.dma_semaphore, #tpu.memory_space<semaphore_mem>>) src(%dma_wait3A_126 : memref<20480x64xf32, #tpu.memory_space<hbm>>) dst(%arg12 : memref<128x64xf32, #tpu.memory_space<vmem>>)
      %run_scoped3A_127 = arith.constant 0 : i32
      "tpu.region"() ({
        %run_scoped3A_155 = tpu.sem_alloc : memref<!tpu.dma_semaphore, #tpu.memory_space<semaphore_mem>>
        %dma_start3A_156 = arith.constant 0 : i32
        %dma_start3A_157 = tpu.memref_slice %arg9[%add3A_119, %run_scoped3A_127, %dma_start3A_156] : memref<164x1x128xi32, #tpu.memory_space<vmem>> -> memref<1x1x128xi32, #tpu.memory_space<vmem>>
        %dma_start3A_158 = tpu.memref_squeeze %dma_start3A_157 : memref<1x1x128xi32, #tpu.memory_space<vmem>> -> memref<128xi32, #tpu.memory_space<vmem>>
        %dma_start3A_159 = arith.constant 0 : i32
        %dma_start3A_160 = arith.constant 0 : i32
        %dma_start3A_161 = tpu.memref_slice %arg7[%dma_start3A_159, %dma_start3A_160] : memref<10240x64xf32, #tpu.memory_space<vmem_shared>> -> memref<10240x64xf32, #tpu.memory_space<vmem_shared>>
        tpu.enqueue_indirect_dma source(%arg12 : memref<128x64xf32, #tpu.memory_space<vmem>>) target(%dma_start3A_161 : memref<10240x64xf32, #tpu.memory_space<vmem_shared>>) offsets(%dma_start3A_158 : memref<128xi32, #tpu.memory_space<vmem>>) semaphore(%run_scoped3A_155 : memref<!tpu.dma_semaphore, #tpu.memory_space<semaphore_mem>>) {add = true}
        %dma_wait3A_162 = arith.constant 0 : i32
        %dma_wait3A_163 = tpu.memref_slice %arg9[%add3A_119, %run_scoped3A_127, %dma_wait3A_162] : memref<164x1x128xi32, #tpu.memory_space<vmem>> -> memref<1x1x128xi32, #tpu.memory_space<vmem>>
        %dma_wait3A_164 = tpu.memref_squeeze %dma_wait3A_163 : memref<1x1x128xi32, #tpu.memory_space<vmem>> -> memref<128xi32, #tpu.memory_space<vmem>>
        %dma_wait3A_165 = arith.constant 0 : i32
        %dma_wait3A_166 = arith.constant 0 : i32
        %dma_wait3A_167 = tpu.memref_slice %arg7[%dma_wait3A_165, %dma_wait3A_166] : memref<10240x64xf32, #tpu.memory_space<vmem_shared>> -> memref<10240x64xf32, #tpu.memory_space<vmem_shared>>
        tpu.wait_indirect_dma semaphore(%run_scoped3A_155 : memref<!tpu.dma_semaphore, #tpu.memory_space<semaphore_mem>>) src(%arg12 : memref<128x64xf32, #tpu.memory_space<vmem>>) dst(%dma_wait3A_167 : memref<10240x64xf32, #tpu.memory_space<vmem_shared>>)
        tpu.yield
      }) : () -> ()
      %add3A_128 = arith.constant 4 : i32
      %add3A_129 = arith.addi %add3A_119, %add3A_128 : i32
      %lt3A_130 = arith.constant 164 : i32
      %lt3A_131 = arith.cmpi slt, %add3A_129, %lt3A_130 : i32
      %convert_element_type3A_132 = arith.extui %lt3A_131 : i1 to i32
      %cond3A_133 = arith.constant 0 : i32
      %cond3A_134 = arith.cmpi ne, %convert_element_type3A_132, %cond3A_133 : i32
      scf.if %cond3A_134 {
        %add3A_155 = arith.constant 4 : i32
        %add3A_156 = arith.addi %add3A_119, %add3A_155 : i32
        %dma_start3A_157 = arith.constant 0 : i32
        %dma_start3A_158 = arith.constant 0 : i32
        %dma_start3A_159 = tpu.memref_slice %arg8[%add3A_156, %dma_start3A_157, %dma_start3A_158] : memref<164x1x128xi32, #tpu.memory_space<vmem>> -> memref<1x1x128xi32, #tpu.memory_space<vmem>>
        %dma_start3A_160 = tpu.memref_squeeze %dma_start3A_159 : memref<1x1x128xi32, #tpu.memory_space<vmem>> -> memref<128xi32, #tpu.memory_space<vmem>>
        %dma_start3A_161 = arith.constant 0 : i32
        %dma_start3A_162 = arith.constant 0 : i32
        %dma_start3A_163 = tpu.memref_slice %arg2[%dma_start3A_161, %dma_start3A_162] : memref<20480x64xf32, #tpu.memory_space<hbm>> -> memref<20480x64xf32, #tpu.memory_space<hbm>>
        tpu.enqueue_indirect_dma source(%dma_start3A_163 : memref<20480x64xf32, #tpu.memory_space<hbm>>) target(%arg12 : memref<128x64xf32, #tpu.memory_space<vmem>>) offsets(%dma_start3A_160 : memref<128xi32, #tpu.memory_space<vmem>>) semaphore(%arg16 : memref<!tpu.dma_semaphore, #tpu.memory_space<semaphore_mem>>)
      } else {
      }
      %mul3A_135 = arith.constant 4 : i32
      %mul3A_136 = arith.muli %scan3A_79, %mul3A_135 : i32
      %add3A_137 = arith.constant 3 : i32
      %add3A_138 = arith.addi %mul3A_136, %add3A_137 : i32
      %dma_wait3A_139 = arith.constant 0 : i32
      %dma_wait3A_140 = arith.constant 0 : i32
      %dma_wait3A_141 = tpu.memref_slice %arg8[%add3A_138, %dma_wait3A_139, %dma_wait3A_140] : memref<164x1x128xi32, #tpu.memory_space<vmem>> -> memref<1x1x128xi32, #tpu.memory_space<vmem>>
      %dma_wait3A_142 = tpu.memref_squeeze %dma_wait3A_141 : memref<1x1x128xi32, #tpu.memory_space<vmem>> -> memref<128xi32, #tpu.memory_space<vmem>>
      %dma_wait3A_143 = arith.constant 0 : i32
      %dma_wait3A_144 = arith.constant 0 : i32
      %dma_wait3A_145 = tpu.memref_slice %arg2[%dma_wait3A_143, %dma_wait3A_144] : memref<20480x64xf32, #tpu.memory_space<hbm>> -> memref<20480x64xf32, #tpu.memory_space<hbm>>
      tpu.wait_indirect_dma semaphore(%arg17 : memref<!tpu.dma_semaphore, #tpu.memory_space<semaphore_mem>>) src(%dma_wait3A_145 : memref<20480x64xf32, #tpu.memory_space<hbm>>) dst(%arg13 : memref<128x64xf32, #tpu.memory_space<vmem>>)
      %run_scoped3A_146 = arith.constant 0 : i32
      "tpu.region"() ({
        %run_scoped3A_155 = tpu.sem_alloc : memref<!tpu.dma_semaphore, #tpu.memory_space<semaphore_mem>>
        %dma_start3A_156 = arith.constant 0 : i32
        %dma_start3A_157 = tpu.memref_slice %arg9[%add3A_138, %run_scoped3A_146, %dma_start3A_156] : memref<164x1x128xi32, #tpu.memory_space<vmem>> -> memref<1x1x128xi32, #tpu.memory_space<vmem>>
        %dma_start3A_158 = tpu.memref_squeeze %dma_start3A_157 : memref<1x1x128xi32, #tpu.memory_space<vmem>> -> memref<128xi32, #tpu.memory_space<vmem>>
        %dma_start3A_159 = arith.constant 0 : i32
        %dma_start3A_160 = arith.constant 0 : i32
        %dma_start3A_161 = tpu.memref_slice %arg7[%dma_start3A_159, %dma_start3A_160] : memref<10240x64xf32, #tpu.memory_space<vmem_shared>> -> memref<10240x64xf32, #tpu.memory_space<vmem_shared>>
        tpu.enqueue_indirect_dma source(%arg13 : memref<128x64xf32, #tpu.memory_space<vmem>>) target(%dma_start3A_161 : memref<10240x64xf32, #tpu.memory_space<vmem_shared>>) offsets(%dma_start3A_158 : memref<128xi32, #tpu.memory_space<vmem>>) semaphore(%run_scoped3A_155 : memref<!tpu.dma_semaphore, #tpu.memory_space<semaphore_mem>>) {add = true}
        %dma_wait3A_162 = arith.constant 0 : i32
        %dma_wait3A_163 = tpu.memref_slice %arg9[%add3A_138, %run_scoped3A_146, %dma_wait3A_162] : memref<164x1x128xi32, #tpu.memory_space<vmem>> -> memref<1x1x128xi32, #tpu.memory_space<vmem>>
        %dma_wait3A_164 = tpu.memref_squeeze %dma_wait3A_163 : memref<1x1x128xi32, #tpu.memory_space<vmem>> -> memref<128xi32, #tpu.memory_space<vmem>>
        %dma_wait3A_165 = arith.constant 0 : i32
        %dma_wait3A_166 = arith.constant 0 : i32
        %dma_wait3A_167 = tpu.memref_slice %arg7[%dma_wait3A_165, %dma_wait3A_166] : memref<10240x64xf32, #tpu.memory_space<vmem_shared>> -> memref<10240x64xf32, #tpu.memory_space<vmem_shared>>
        tpu.wait_indirect_dma semaphore(%run_scoped3A_155 : memref<!tpu.dma_semaphore, #tpu.memory_space<semaphore_mem>>) src(%arg13 : memref<128x64xf32, #tpu.memory_space<vmem>>) dst(%dma_wait3A_167 : memref<10240x64xf32, #tpu.memory_space<vmem_shared>>)
        tpu.yield
      }) : () -> ()
      %add3A_147 = arith.constant 4 : i32
      %add3A_148 = arith.addi %add3A_138, %add3A_147 : i32
      %lt3A_149 = arith.constant 164 : i32
      %lt3A_150 = arith.cmpi slt, %add3A_148, %lt3A_149 : i32
      %convert_element_type3A_151 = arith.extui %lt3A_150 : i1 to i32
      %cond3A_152 = arith.constant 0 : i32
      %cond3A_153 = arith.cmpi ne, %convert_element_type3A_151, %cond3A_152 : i32
      scf.if %cond3A_153 {
        %add3A_155 = arith.constant 4 : i32
        %add3A_156 = arith.addi %add3A_138, %add3A_155 : i32
        %dma_start3A_157 = arith.constant 0 : i32
        %dma_start3A_158 = arith.constant 0 : i32
        %dma_start3A_159 = tpu.memref_slice %arg8[%add3A_156, %dma_start3A_157, %dma_start3A_158] : memref<164x1x128xi32, #tpu.memory_space<vmem>> -> memref<1x1x128xi32, #tpu.memory_space<vmem>>
        %dma_start3A_160 = tpu.memref_squeeze %dma_start3A_159 : memref<1x1x128xi32, #tpu.memory_space<vmem>> -> memref<128xi32, #tpu.memory_space<vmem>>
        %dma_start3A_161 = arith.constant 0 : i32
        %dma_start3A_162 = arith.constant 0 : i32
        %dma_start3A_163 = tpu.memref_slice %arg2[%dma_start3A_161, %dma_start3A_162] : memref<20480x64xf32, #tpu.memory_space<hbm>> -> memref<20480x64xf32, #tpu.memory_space<hbm>>
        tpu.enqueue_indirect_dma source(%dma_start3A_163 : memref<20480x64xf32, #tpu.memory_space<hbm>>) target(%arg13 : memref<128x64xf32, #tpu.memory_space<vmem>>) offsets(%dma_start3A_160 : memref<128xi32, #tpu.memory_space<vmem>>) semaphore(%arg17 : memref<!tpu.dma_semaphore, #tpu.memory_space<semaphore_mem>>)
      } else {
      }
      %scan3A_154 = arith.constant 0 : i32
      scf.yield %scan3A_154 : i32
    }
    %scan3A_70 = arith.constant 41 : i32
    %barrier3A_71 = arith.constant 0 : index
    tpu.barrier barrier_id(%barrier3A_71)
    %mul3A_72 = arith.constant 640 : i32
    %mul3A_73 = arith.muli %arg1, %mul3A_72 : i32
    %mul3A_74 = arith.constant 10240 : i32
    %mul3A_75 = arith.muli %arg0, %mul3A_74 : i32
    %mul3A_76 = arith.constant 640 : i32
    %mul3A_77 = arith.muli %arg1, %mul3A_76 : i32
    %add3A_78 = arith.addi %mul3A_75, %mul3A_77 : i32
    "tpu.region"() ({
      %run_scoped3A = tpu.sem_alloc : memref<!tpu.dma_semaphore, #tpu.memory_space<semaphore_mem>>
      %dma_start3A_79 = arith.constant 0 : i32
      %dma_start3A_80 = tpu.memref_slice %arg6[%add3A_78, %dma_start3A_79] : memref<20480x64xf32, #tpu.memory_space<hbm>> -> memref<640x64xf32, #tpu.memory_space<hbm>>
      %dma_start3A_81 = arith.constant 0 : i32
      %dma_start3A_82 = tpu.memref_slice %arg7[%mul3A_73, %dma_start3A_81] : memref<10240x64xf32, #tpu.memory_space<vmem_shared>> -> memref<640x64xf32, #tpu.memory_space<vmem_shared>>
      tpu.enqueue_dma source(%dma_start3A_82 : memref<640x64xf32, #tpu.memory_space<vmem_shared>>) target(%dma_start3A_80 : memref<640x64xf32, #tpu.memory_space<hbm>>) target_semaphore(%run_scoped3A : memref<!tpu.dma_semaphore, #tpu.memory_space<semaphore_mem>>)
      %dma_wait3A = arith.constant 0 : i32
      %dma_wait3A_83 = tpu.memref_slice %arg6[%add3A_78, %dma_wait3A] : memref<20480x64xf32, #tpu.memory_space<hbm>> -> memref<640x64xf32, #tpu.memory_space<hbm>>
      %dma_wait3A_84 = arith.constant 0 : i32
      %dma_wait3A_85 = tpu.memref_slice %arg7[%mul3A_73, %dma_wait3A_84] : memref<10240x64xf32, #tpu.memory_space<vmem_shared>> -> memref<640x64xf32, #tpu.memory_space<vmem_shared>>
      tpu.wait_dma2 semaphore(%run_scoped3A : memref<!tpu.dma_semaphore, #tpu.memory_space<semaphore_mem>>) src(%dma_wait3A_85 : memref<640x64xf32, #tpu.memory_space<vmem_shared>>) dst(%dma_wait3A_83 : memref<640x64xf32, #tpu.memory_space<hbm>>)
      tpu.yield
    }) : () -> ()
    return
  }
}

#map = affine_map<(d0, d1) -> (0)>
#map1 = affine_map<(d0, d1) -> (0, 0)>
module attributes {stable_mosaic.version = 14 : i64} {
  func.func @deg_k(%arg0: i32, %arg1: i32, %arg2: memref<335872xi32, #tpu.memory_space<hbm>>, %arg3: memref<20480x16xf32, #tpu.memory_space<hbm>>, %arg4: memref<10240x16xf32, #tpu.memory_space<vmem_shared>>, %arg5: memref<128xi32, #tpu.memory_space<vmem>>, %arg6: memref<128x16xf32, #tpu.memory_space<vmem>>, %arg7: memref<640x16xf32, #tpu.memory_space<vmem>>) attributes {dimension_semantics = [#tpu.dimension_semantics<core_parallel>, #tpu.dimension_semantics<subcore_parallel>], iteration_bounds = array<i64: 2, 16>, scalar_prefetch = 0 : i64, scratch_operands = 4 : i64, tpu.core_type = #tpu.core_type<sc_vector_subcore>, window_params = [{transform_indices = #map}, {transform_indices = #map1}]} {
    %mul3A = arith.constant 16 : i32
    %mul3A_0 = arith.muli %arg0, %mul3A : i32
    %add3A = arith.addi %mul3A_0, %arg1 : i32
    %broadcast_in_dim3A = arith.constant 0.000000e+00 : f32
    %broadcast_in_dim3A_1 = vector.broadcast %broadcast_in_dim3A : f32 to vector<16xf32>
    %scan3A = arith.constant 0 : i32
    %scan3A_2 = arith.constant 0 : i32
    %scan3A_3 = arith.constant 640 : i32
    %scan3A_4 = arith.addi %scan3A_2, %scan3A_3 : i32
    %scan3A_5 = arith.constant 1 : i32
    %scan3A_6 = scf.for %scan3A_38 = %scan3A_2 to %scan3A_4 step %scan3A_5 iter_args(%scan3A_39 = %scan3A) -> (i32)  : i32 {
      %swap3A = arith.index_cast %scan3A_38 : i32 to index
      %swap3A_40 = arith.constant 0 : index
      %swap3A_41 = tpu.vector_load %arg7[%swap3A, %swap3A_40] {strides = array<i32>} : memref<640x16xf32, #tpu.memory_space<vmem>>, vector<1x16xf32>,
      %swap3A_42 = vector.shape_cast %swap3A_41 : vector<1x16xf32> to vector<16xf32>
      %swap3A_43 = vector.shape_cast %broadcast_in_dim3A_1 : vector<16xf32> to vector<1x16xf32>
      tpu.vector_store %arg7[%swap3A, %swap3A_40], %swap3A_43 {strides = array<i32>} : memref<640x16xf32, #tpu.memory_space<vmem>>, vector<1x16xf32>,
      %scan3A_44 = arith.constant 0 : i32
      scf.yield %scan3A_44 : i32
    }
    %scan3A_7 = arith.constant 640 : i32
    %mul3A_8 = arith.constant 640 : i32
    %mul3A_9 = arith.muli %arg1, %mul3A_8 : i32
    "tpu.region"() ({
      %run_scoped3A = tpu.sem_alloc : memref<!tpu.dma_semaphore, #tpu.memory_space<semaphore_mem>>
      %dma_start3A = arith.constant 0 : i32
      %dma_start3A_38 = tpu.memref_slice %arg4[%mul3A_9, %dma_start3A] : memref<10240x16xf32, #tpu.memory_space<vmem_shared>> -> memref<640x16xf32, #tpu.memory_space<vmem_shared>>
      %dma_start3A_39 = arith.constant 0 : i32
      %dma_start3A_40 = tpu.memref_slice %arg4[%mul3A_9, %dma_start3A_39] : memref<10240x16xf32, #tpu.memory_space<vmem_shared>> -> memref<640x16xf32, #tpu.memory_space<vmem_shared>>
      tpu.enqueue_dma source(%arg7 : memref<640x16xf32, #tpu.memory_space<vmem>>) target(%dma_start3A_40 : memref<640x16xf32, #tpu.memory_space<vmem_shared>>) target_semaphore(%run_scoped3A : memref<!tpu.dma_semaphore, #tpu.memory_space<semaphore_mem>>)
      %dma_wait3A = arith.constant 0 : i32
      %dma_wait3A_41 = tpu.memref_slice %arg4[%mul3A_9, %dma_wait3A] : memref<10240x16xf32, #tpu.memory_space<vmem_shared>> -> memref<640x16xf32, #tpu.memory_space<vmem_shared>>
      %dma_wait3A_42 = arith.constant 0 : i32
      %dma_wait3A_43 = tpu.memref_slice %arg4[%mul3A_9, %dma_wait3A_42] : memref<10240x16xf32, #tpu.memory_space<vmem_shared>> -> memref<640x16xf32, #tpu.memory_space<vmem_shared>>
      tpu.wait_dma2 semaphore(%run_scoped3A : memref<!tpu.dma_semaphore, #tpu.memory_space<semaphore_mem>>) src(%arg7 : memref<640x16xf32, #tpu.memory_space<vmem>>) dst(%dma_wait3A_43 : memref<640x16xf32, #tpu.memory_space<vmem_shared>>)
      tpu.yield
    }) : () -> ()
    %broadcast_in_dim3A_10 = arith.constant 1.000000e+00 : f32
    %broadcast_in_dim3A_11 = vector.broadcast %broadcast_in_dim3A_10 : f32 to vector<16xf32>
    %scan3A_12 = arith.constant 0 : i32
    %scan3A_13 = arith.constant 0 : i32
    %scan3A_14 = arith.constant 128 : i32
    %scan3A_15 = arith.addi %scan3A_13, %scan3A_14 : i32
    %scan3A_16 = arith.constant 1 : i32
    %scan3A_17 = scf.for %scan3A_38 = %scan3A_13 to %scan3A_15 step %scan3A_16 iter_args(%scan3A_39 = %scan3A_12) -> (i32)  : i32 {
      %swap3A = arith.index_cast %scan3A_38 : i32 to index
      %swap3A_40 = arith.constant 0 : index
      %swap3A_41 = tpu.vector_load %arg6[%swap3A, %swap3A_40] {strides = array<i32>} : memref<128x16xf32, #tpu.memory_space<vmem>>, vector<1x16xf32>,
      %swap3A_42 = vector.shape_cast %swap3A_41 : vector<1x16xf32> to vector<16xf32>
      %swap3A_43 = vector.shape_cast %broadcast_in_dim3A_11 : vector<16xf32> to vector<1x16xf32>
      tpu.vector_store %arg6[%swap3A, %swap3A_40], %swap3A_43 {strides = array<i32>} : memref<128x16xf32, #tpu.memory_space<vmem>>, vector<1x16xf32>,
      %scan3A_44 = arith.constant 0 : i32
      scf.yield %scan3A_44 : i32
    }
    %scan3A_18 = arith.constant 128 : i32
    %barrier3A = arith.constant 0 : index
    tpu.barrier barrier_id(%barrier3A)
    %mul3A_19 = arith.constant 82 : i32
    %mul3A_20 = arith.muli %add3A, %mul3A_19 : i32
    %mul3A_21 = arith.constant 128 : i32
    %mul3A_22 = arith.muli %mul3A_20, %mul3A_21 : i32
    %scan3A_23 = arith.constant 0 : i32
    %scan3A_24 = arith.constant 0 : i32
    %scan3A_25 = arith.constant 82 : i32
    %scan3A_26 = arith.addi %scan3A_24, %scan3A_25 : i32
    %scan3A_27 = arith.constant 1 : i32
    %scan3A_28 = scf.for %scan3A_38 = %scan3A_24 to %scan3A_26 step %scan3A_27 iter_args(%scan3A_39 = %scan3A_23) -> (i32)  : i32 {
      %mul3A_40 = arith.constant 128 : i32
      %mul3A_41 = arith.muli %scan3A_38, %mul3A_40 : i32
      %add3A_42 = arith.addi %mul3A_22, %mul3A_41 : i32
      "tpu.region"() ({
        %run_scoped3A = tpu.sem_alloc : memref<!tpu.dma_semaphore, #tpu.memory_space<semaphore_mem>>
        %dma_start3A = tpu.memref_slice %arg2[%add3A_42] : memref<335872xi32, #tpu.memory_space<hbm>> -> memref<128xi32, #tpu.memory_space<hbm>>
        %dma_start3A_44 = tpu.memref_slice %arg2[%add3A_42] : memref<335872xi32, #tpu.memory_space<hbm>> -> memref<128xi32, #tpu.memory_space<hbm>>
        tpu.enqueue_dma source(%dma_start3A_44 : memref<128xi32, #tpu.memory_space<hbm>>) target(%arg5 : memref<128xi32, #tpu.memory_space<vmem>>) target_semaphore(%run_scoped3A : memref<!tpu.dma_semaphore, #tpu.memory_space<semaphore_mem>>)
        %dma_wait3A = tpu.memref_slice %arg2[%add3A_42] : memref<335872xi32, #tpu.memory_space<hbm>> -> memref<128xi32, #tpu.memory_space<hbm>>
        %dma_wait3A_45 = tpu.memref_slice %arg2[%add3A_42] : memref<335872xi32, #tpu.memory_space<hbm>> -> memref<128xi32, #tpu.memory_space<hbm>>
        tpu.wait_dma2 semaphore(%run_scoped3A : memref<!tpu.dma_semaphore, #tpu.memory_space<semaphore_mem>>) src(%dma_wait3A_45 : memref<128xi32, #tpu.memory_space<hbm>>) dst(%arg5 : memref<128xi32, #tpu.memory_space<vmem>>)
        tpu.yield
      }) : () -> ()
      "tpu.region"() ({
        %run_scoped3A = tpu.sem_alloc : memref<!tpu.dma_semaphore, #tpu.memory_space<semaphore_mem>>
        %dma_start3A = arith.constant 0 : i32
        %dma_start3A_44 = arith.constant 0 : i32
        %dma_start3A_45 = tpu.memref_slice %arg4[%dma_start3A, %dma_start3A_44] : memref<10240x16xf32, #tpu.memory_space<vmem_shared>> -> memref<10240x16xf32, #tpu.memory_space<vmem_shared>>
        tpu.enqueue_indirect_dma source(%arg6 : memref<128x16xf32, #tpu.memory_space<vmem>>) target(%dma_start3A_45 : memref<10240x16xf32, #tpu.memory_space<vmem_shared>>) offsets(%arg5 : memref<128xi32, #tpu.memory_space<vmem>>) semaphore(%run_scoped3A : memref<!tpu.dma_semaphore, #tpu.memory_space<semaphore_mem>>) {add = true}
        %dma_wait3A = arith.constant 0 : i32
        %dma_wait3A_46 = arith.constant 0 : i32
        %dma_wait3A_47 = tpu.memref_slice %arg4[%dma_wait3A, %dma_wait3A_46] : memref<10240x16xf32, #tpu.memory_space<vmem_shared>> -> memref<10240x16xf32, #tpu.memory_space<vmem_shared>>
        tpu.wait_indirect_dma semaphore(%run_scoped3A : memref<!tpu.dma_semaphore, #tpu.memory_space<semaphore_mem>>) src(%arg6 : memref<128x16xf32, #tpu.memory_space<vmem>>) dst(%dma_wait3A_47 : memref<10240x16xf32, #tpu.memory_space<vmem_shared>>)
        tpu.yield
      }) : () -> ()
      %scan3A_43 = arith.constant 0 : i32
      scf.yield %scan3A_43 : i32
    }
    %scan3A_29 = arith.constant 82 : i32
    %barrier3A_30 = arith.constant 0 : index
    tpu.barrier barrier_id(%barrier3A_30)
    %mul3A_31 = arith.constant 640 : i32
    %mul3A_32 = arith.muli %arg1, %mul3A_31 : i32
    %mul3A_33 = arith.constant 10240 : i32
    %mul3A_34 = arith.muli %arg0, %mul3A_33 : i32
    %mul3A_35 = arith.constant 640 : i32
    %mul3A_36 = arith.muli %arg1, %mul3A_35 : i32
    %add3A_37 = arith.addi %mul3A_34, %mul3A_36 : i32
    "tpu.region"() ({
      %run_scoped3A = tpu.sem_alloc : memref<!tpu.dma_semaphore, #tpu.memory_space<semaphore_mem>>
      %dma_start3A = arith.constant 0 : i32
      %dma_start3A_38 = tpu.memref_slice %arg3[%add3A_37, %dma_start3A] : memref<20480x16xf32, #tpu.memory_space<hbm>> -> memref<640x16xf32, #tpu.memory_space<hbm>>
      %dma_start3A_39 = arith.constant 0 : i32
      %dma_start3A_40 = tpu.memref_slice %arg4[%mul3A_32, %dma_start3A_39] : memref<10240x16xf32, #tpu.memory_space<vmem_shared>> -> memref<640x16xf32, #tpu.memory_space<vmem_shared>>
      tpu.enqueue_dma source(%dma_start3A_40 : memref<640x16xf32, #tpu.memory_space<vmem_shared>>) target(%dma_start3A_38 : memref<640x16xf32, #tpu.memory_space<hbm>>) target_semaphore(%run_scoped3A : memref<!tpu.dma_semaphore, #tpu.memory_space<semaphore_mem>>)
      %dma_wait3A = arith.constant 0 : i32
      %dma_wait3A_41 = tpu.memref_slice %arg3[%add3A_37, %dma_wait3A] : memref<20480x16xf32, #tpu.memory_space<hbm>> -> memref<640x16xf32, #tpu.memory_space<hbm>>
      %dma_wait3A_42 = arith.constant 0 : i32
      %dma_wait3A_43 = tpu.memref_slice %arg4[%mul3A_32, %dma_wait3A_42] : memref<10240x16xf32, #tpu.memory_space<vmem_shared>> -> memref<640x16xf32, #tpu.memory_space<vmem_shared>>
      tpu.wait_dma2 semaphore(%run_scoped3A : memref<!tpu.dma_semaphore, #tpu.memory_space<semaphore_mem>>) src(%dma_wait3A_43 : memref<640x16xf32, #tpu.memory_space<vmem_shared>>) dst(%dma_wait3A_41 : memref<640x16xf32, #tpu.memory_space<hbm>>)
      tpu.yield
    }) : () -> ()
    return
  }
}

module attributes {stable_mosaic.version = 14 : i64} {
  func.func @body(%arg0: i32, %arg1: memref<512x128xf32, #tpu.memory_space<vmem>>, %arg2: memref<128x128xf32, #tpu.memory_space<vmem>>, %arg3: memref<2x512x16xf32, #tpu.memory_space<vmem>>, %arg4: memref<2x512x64xf32, #tpu.memory_space<vmem>>) attributes {dimension_semantics = [#tpu.dimension_semantics<arbitrary>], iteration_bounds = array<i64: 20>, scalar_prefetch = 0 : i64, scratch_operands = 0 : i64, tpu.core_type = #tpu.core_type<tc>, window_params = [{transform_indices = @transform_0, window_bounds = array<i64: 512, 128>}, {pipeline_mode = #tpu.pipeline_mode<synchronous>, transform_indices = @transform_1, window_bounds = array<i64: 128, 128>}, {transform_indices = @transform_2, window_bounds = array<i64: 2, 512, 16>}, {transform_indices = @transform_3, window_bounds = array<i64: 2, 512, 64>}]} {
    %get3A = arith.constant 0 : index
    %get3A_0 = arith.constant 0 : index
    %get3A_1 = vector.load %arg1[%get3A, %get3A_0] : memref<512x128xf32, #tpu.memory_space<vmem>>, vector<512x128xf32>
    %get3A_2 = arith.constant 0 : index
    %get3A_3 = arith.constant 0 : index
    %get3A_4 = vector.load %arg2[%get3A_2, %get3A_3] : memref<128x128xf32, #tpu.memory_space<vmem>>, vector<128x128xf32>
    %dot_general3A = arith.constant dense<0.000000e+00> : vector<512x128xf32>
    %dot_general3A_5 = tpu.matmul %get3A_1, %get3A_4, %dot_general3A {dimension_numbers = #tpu.dot_dimension_numbers<[1], [1], [0], [0], [0, 0, 1, 0], [], []>, transpose_lhs_hint = false} : vector<512x128xf32>, vector<128x128xf32>, vector<512x128xf32> -> vector<512x128xf32>
    %get3A_6 = arith.constant 0 : index
    %get3A_7 = arith.constant 0 : index
    %get3A_8 = arith.constant 0 : index
    %get3A_9 = vector.load %arg3[%get3A_6, %get3A_7, %get3A_8] : memref<2x512x16xf32, #tpu.memory_space<vmem>>, vector<1x512x1xf32>
    %get3A_10 = vector.shape_cast %get3A_9 : vector<1x512x1xf32> to vector<512x1xf32>
    %get3A_11 = arith.constant 1 : index
    %get3A_12 = arith.constant 0 : index
    %get3A_13 = arith.constant 0 : index
    %get3A_14 = vector.load %arg3[%get3A_11, %get3A_12, %get3A_13] : memref<2x512x16xf32, #tpu.memory_space<vmem>>, vector<1x512x1xf32>
    %get3A_15 = vector.shape_cast %get3A_14 : vector<1x512x1xf32> to vector<512x1xf32>
    %add3A = arith.addf %get3A_10, %get3A_15 : vector<512x1xf32>
    %rsqrt3A = math.rsqrt %add3A : vector<512x1xf32>
    %mul3A = arith.constant 512 : i32
    %mul3A_16 = arith.muli %arg0, %mul3A : i32
    %iota3A = tpu.iota {dimensions = array<i32: 0>} : vector<512x1xi32>
    %add3A_17 = vector.broadcast %mul3A_16 : i32 to vector<512x1xi32>
    %add3A_18 = arith.addi %add3A_17, %iota3A : vector<512x1xi32>
    %lt3A = arith.constant 10000 : i32
    %lt3A_19 = vector.broadcast %lt3A : i32 to vector<512x1xi32>
    %lt3A_20 = arith.cmpi slt, %add3A_18, %lt3A_19 : vector<512x1xi32>
    %mul3A_21 = vector.broadcast %rsqrt3A : vector<512x1xf32> to vector<512x128xf32>
    %mul3A_22 = arith.mulf %dot_general3A_5, %mul3A_21 : vector<512x128xf32>
    %jit3A = arith.constant 0.000000e+00 : f32
    %broadcast_in_dim3A = vector.shape_cast %lt3A_20 : vector<512x1xi1> to vector<512x1xi1>
    %broadcast_in_dim3A_23 = vector.broadcast %broadcast_in_dim3A : vector<512x1xi1> to vector<512x128xi1>
    %broadcast_in_dim3A_24 = vector.broadcast %jit3A : f32 to vector<512x128xf32>
    %select_n3A = arith.select %broadcast_in_dim3A_23, %mul3A_22, %broadcast_in_dim3A_24 : vector<512x128xi1>, vector<512x128xf32>
    %slice3A = vector.extract_strided_slice %select_n3A {offsets = [0, 0], sizes = [512, 64], strides = [1, 1]} : vector<512x128xf32> to vector<512x64xf32>
    %swap3A = arith.constant 0 : index
    %swap3A_25 = arith.constant 0 : index
    %swap3A_26 = arith.constant 0 : index
    %swap3A_27 = vector.load %arg4[%swap3A, %swap3A_25, %swap3A_26] : memref<2x512x64xf32, #tpu.memory_space<vmem>>, vector<1x512x64xf32>
    %swap3A_28 = vector.shape_cast %swap3A_27 : vector<1x512x64xf32> to vector<512x64xf32>
    %swap3A_29 = vector.shape_cast %slice3A : vector<512x64xf32> to vector<1x512x64xf32>
    tpu.vector_store %arg4[%swap3A, %swap3A_25, %swap3A_26], %swap3A_29 {strides = array<i32>} : memref<2x512x64xf32, #tpu.memory_space<vmem>>, vector<1x512x64xf32>,
    %slice3A_30 = vector.extract_strided_slice %select_n3A {offsets = [0, 64], sizes = [512, 64], strides = [1, 1]} : vector<512x128xf32> to vector<512x64xf32>
    %swap3A_31 = arith.constant 1 : index
    %swap3A_32 = arith.constant 0 : index
    %swap3A_33 = arith.constant 0 : index
    %swap3A_34 = vector.load %arg4[%swap3A_31, %swap3A_32, %swap3A_33] : memref<2x512x64xf32, #tpu.memory_space<vmem>>, vector<1x512x64xf32>
    %swap3A_35 = vector.shape_cast %swap3A_34 : vector<1x512x64xf32> to vector<512x64xf32>
    %swap3A_36 = vector.shape_cast %slice3A_30 : vector<512x64xf32> to vector<1x512x64xf32>
    tpu.vector_store %arg4[%swap3A_31, %swap3A_32, %swap3A_33], %swap3A_36 {strides = array<i32>} : memref<2x512x64xf32, #tpu.memory_space<vmem>>, vector<1x512x64xf32>,
    return
  }
  func.func @transform_0(%arg0: i32) -> (i32, i32) {
    %c0_i32 = arith.constant 0 : i32
    %c0_i32_0 = arith.constant 0 : i32
    return %arg0, %c0_i32 : i32, i32
  }
  func.func @transform_1(%arg0: i32) -> (i32, i32) {
    %c0_i32 = arith.constant 0 : i32
    %c0_i32_0 = arith.constant 0 : i32
    %c0_i32_1 = arith.constant 0 : i32
    return %c0_i32, %c0_i32_0 : i32, i32
  }
  func.func @transform_2(%arg0: i32) -> (i32, i32, i32) {
    %c0_i32 = arith.constant 0 : i32
    %c0_i32_0 = arith.constant 0 : i32
    %c0_i32_1 = arith.constant 0 : i32
    return %c0_i32, %arg0, %c0_i32_0 : i32, i32, i32
  }
  func.func @transform_3(%arg0: i32) -> (i32, i32, i32) {
    %c0_i32 = arith.constant 0 : i32
    %c0_i32_0 = arith.constant 0 : i32
    %c0_i32_1 = arith.constant 0 : i32
    return %c0_i32, %arg0, %c0_i32_0 : i32, i32, i32
  }
}

module attributes {stable_mosaic.version = 14 : i64} {
  func.func @body(%arg0: i32, %arg1: memref<2x1000x64xf32, #tpu.memory_space<vmem>>, %arg2: memref<2x1000x16xf32, #tpu.memory_space<vmem>>, %arg3: memref<1x128xf32, #tpu.memory_space<vmem>>, %arg4: memref<1000x128xf32, #tpu.memory_space<vmem>>) attributes {dimension_semantics = [#tpu.dimension_semantics<arbitrary>], iteration_bounds = array<i64: 10>, scalar_prefetch = 0 : i64, scratch_operands = 0 : i64, tpu.core_type = #tpu.core_type<tc>, window_params = [{transform_indices = @transform_0, window_bounds = array<i64: 2, 1000, 64>}, {transform_indices = @transform_1, window_bounds = array<i64: 2, 1000, 16>}, {pipeline_mode = #tpu.pipeline_mode<synchronous>, transform_indices = @transform_2, window_bounds = array<i64: 1, 128>}, {transform_indices = @transform_3, window_bounds = array<i64: 1000, 128>}]} {
    %get3A = arith.constant 0 : index
    %get3A_0 = arith.constant 0 : index
    %get3A_1 = arith.constant 0 : index
    %get3A_2 = vector.load %arg2[%get3A, %get3A_0, %get3A_1] : memref<2x1000x16xf32, #tpu.memory_space<vmem>>, vector<1x1000x1xf32>
    %get3A_3 = vector.shape_cast %get3A_2 : vector<1x1000x1xf32> to vector<1000x1xf32>
    %get3A_4 = arith.constant 1 : index
    %get3A_5 = arith.constant 0 : index
    %get3A_6 = arith.constant 0 : index
    %get3A_7 = vector.load %arg2[%get3A_4, %get3A_5, %get3A_6] : memref<2x1000x16xf32, #tpu.memory_space<vmem>>, vector<1x1000x1xf32>
    %get3A_8 = vector.shape_cast %get3A_7 : vector<1x1000x1xf32> to vector<1000x1xf32>
    %add3A = arith.addf %get3A_3, %get3A_8 : vector<1000x1xf32>
    %rsqrt3A = math.rsqrt %add3A : vector<1000x1xf32>
    %get3A_9 = arith.constant 0 : index
    %get3A_10 = arith.constant 0 : index
    %get3A_11 = arith.constant 0 : index
    %get3A_12 = vector.load %arg1[%get3A_9, %get3A_10, %get3A_11] : memref<2x1000x64xf32, #tpu.memory_space<vmem>>, vector<1x1000x64xf32>
    %get3A_13 = vector.shape_cast %get3A_12 : vector<1x1000x64xf32> to vector<1000x64xf32>
    %mul3A = vector.broadcast %rsqrt3A : vector<1000x1xf32> to vector<1000x64xf32>
    %mul3A_14 = arith.mulf %get3A_13, %mul3A : vector<1000x64xf32>
    %get3A_15 = arith.constant 0 : index
    %get3A_16 = arith.constant 0 : index
    %get3A_17 = vector.load %arg3[%get3A_15, %get3A_16] : memref<1x128xf32, #tpu.memory_space<vmem>>, vector<1x64xf32>
    %add3A_18 = vector.broadcast %get3A_17 : vector<1x64xf32> to vector<1000x64xf32>
    %add3A_19 = arith.addf %mul3A_14, %add3A_18 : vector<1000x64xf32>
    %swap3A = arith.constant 0 : index
    %swap3A_20 = arith.constant 0 : index
    %swap3A_21 = vector.load %arg4[%swap3A, %swap3A_20] : memref<1000x128xf32, #tpu.memory_space<vmem>>, vector<1000x64xf32>
    tpu.vector_store %arg4[%swap3A, %swap3A_20], %add3A_19 {strides = array<i32>} : memref<1000x128xf32, #tpu.memory_space<vmem>>, vector<1000x64xf32>,
    %get3A_22 = arith.constant 1 : index
    %get3A_23 = arith.constant 0 : index
    %get3A_24 = arith.constant 0 : index
    %get3A_25 = vector.load %arg1[%get3A_22, %get3A_23, %get3A_24] : memref<2x1000x64xf32, #tpu.memory_space<vmem>>, vector<1x1000x64xf32>
    %get3A_26 = vector.shape_cast %get3A_25 : vector<1x1000x64xf32> to vector<1000x64xf32>
    %mul3A_27 = vector.broadcast %rsqrt3A : vector<1000x1xf32> to vector<1000x64xf32>
    %mul3A_28 = arith.mulf %get3A_26, %mul3A_27 : vector<1000x64xf32>
    %get3A_29 = arith.constant 0 : index
    %get3A_30 = arith.constant 64 : index
    %get3A_31 = vector.load %arg3[%get3A_29, %get3A_30] : memref<1x128xf32, #tpu.memory_space<vmem>>, vector<1x64xf32>
    %add3A_32 = vector.broadcast %get3A_31 : vector<1x64xf32> to vector<1000x64xf32>
    %add3A_33 = arith.addf %mul3A_28, %add3A_32 : vector<1000x64xf32>
    %swap3A_34 = arith.constant 0 : index
    %swap3A_35 = arith.constant 64 : index
    %swap3A_36 = vector.load %arg4[%swap3A_34, %swap3A_35] : memref<1000x128xf32, #tpu.memory_space<vmem>>, vector<1000x64xf32>
    tpu.vector_store %arg4[%swap3A_34, %swap3A_35], %add3A_33 {strides = array<i32>} : memref<1000x128xf32, #tpu.memory_space<vmem>>, vector<1000x64xf32>,
    return
  }
  func.func @transform_0(%arg0: i32) -> (i32, i32, i32) {
    %c0_i32 = arith.constant 0 : i32
    %c0_i32_0 = arith.constant 0 : i32
    %c0_i32_1 = arith.constant 0 : i32
    return %c0_i32, %arg0, %c0_i32_0 : i32, i32, i32
  }
  func.func @transform_1(%arg0: i32) -> (i32, i32, i32) {
    %c0_i32 = arith.constant 0 : i32
    %c0_i32_0 = arith.constant 0 : i32
    %c0_i32_1 = arith.constant 0 : i32
    return %c0_i32, %arg0, %c0_i32_0 : i32, i32, i32
  }
  func.func @transform_2(%arg0: i32) -> (i32, i32) {
    %c0_i32 = arith.constant 0 : i32
    %c0_i32_0 = arith.constant 0 : i32
    %c0_i32_1 = arith.constant 0 : i32
    return %c0_i32, %c0_i32_0 : i32, i32
  }
  func.func @transform_3(%arg0: i32) -> (i32, i32) {
    %c0_i32 = arith.constant 0 : i32
    %c0_i32_0 = arith.constant 0 : i32
    return %arg0, %c0_i32 : i32, i32
  }
}

</mosaic_0001>

<sc_bundles>
// kernel: kernel.6.cloned.1.call-start
scs
__scs_entry_jumppad:
0x0: {  	(pc) =	sbr.rel $0x88, $3  }
0x1: {  	(tag) =	ssettag $0x0;
	lr =	simm.s32 $0x1  }
0x2: {  	[smem:$0x3F9D] =	sst lr;
	_ =	strace $0xD0000000  }
0x3: {  	_ = 	snop  }
0x4: {  	_ = 	snop  }
0x5: {  	_ = 	snop  }
0x6: {  	_ = 	snop  }
0x7: {  	_ = 	snop  }
__scs_overlays_trampoline_lowered:
0x8: {  	[smem:$0x3FAC] =	sst s0  }
0x9: {  	[smem:$0x3FAD] =	sst s1  }
0xa: {  	[smem:$0x3FAE] =	sst s2  }
0xb: {  	[smem:$0x3FAF] =	sst s3  }
0xc: {  	[smem:$0x3FB0] =	sst s4  }
0xd: {  	[smem:$0x3FB1] =	sst s5  }
0xe: {  	[smem:$0x3FB2] =	sst s6  }
0xf: {  	[smem:$0x3FB3] =	sst s7  }
0x10: {  	[smem:$0x3FB4] =	sst s8  }
0x11: {  	[smem:$0x3FB5] =	sst s9;
	s0 =	simm.s32 @!p0 $0x0  }
0x12: {  	s1 =	sld [smem:$0x3F9B];
	s0 =	simm.s32 @p0 $0x1  }
0x13: {  	[smem:$0x3FB6] =	sst s0;
	s0 =	simm.s32 @!p1 $0x0  }
0x14: {  	s2 =	sld [smem:$0x3F9A];
	s0 =	simm.s32 @p1 $0x1  }
0x15: {  	[smem:$0x3FB7] =	sst s0;
	s0 =	simm.s32 @!p2 $0x0  }
0x16: {  	s3 =	sld [smem:$0x3FDB];
	s0 =	simm.s32 @p2 $0x1  }
0x17: {  	s4 =	simm.s32 $0x1BF5;
	[smem:$0x3FB9] =	sst s0  }
0x18: {  	s0 =	sld [smem:$0x3F9C];
	_ =	swait.ge [sflag:s4], $0x0  }
0x19: {  	s7 =	sld [smem:$0x3F9D]  }
0x1a: {  	s8 =	sadd.s32 $0xFFFFE003, lr  }
0x1b: {  	s9 =	sadd.s32 $0xFFFFFEF7, lr;
	s5 =	simm.s32 $0xFFFFFFFF;
	p2 =	slt.u32 s8, $0xFFFFF086  }
0x1c: {  	p1 =	slt.u32 s9, $0xF7A;
	s5 =	simm.s32 @!p2 $0x0  }
0x1d: {  	s5 =	simm.s32 @p1 $0x1;
	p0 =	seq.s32 s7, s2  }
0x1e: {  	s7 =	smul.u32 @!p0 $0xF7A, s2;
	p2 =	seq.s32 @!p0 s5, $0x0  }
0x1f: {  	s9 =	smul.u32 $0xF7A, s1;
	s8 =	simm.s32 @!p0 $0x1BF5;
	p2 =	por !p2, p0  }
0x20: {  	[sflag:s8] =	ssyncset.s32 @!p0 $0xFFFFF086;
	s6 =	sadd.s32 @!p0 s3, s7;
	s7 =	simm.s32 @!p0 $0x108  }
0x21: {  	s3 =	sadd.s32 s3, s9;
	s6 =	sadd.s32 @!p0 $0x88, s6;
	s7 =	simm.s32 @p2 $0x1082  }
0x22: {  	[simem:s7], [sflag:s8] =	dma.local @!p0 [hbm:s6], $0xF7A  }
0x23: {  	s9 =	sor.u32 $0xD0000000, s2;
	s6 =	simm.s32 $0x108;
	_ =	swait.ge @!p0 [sflag:s8], $0x0  }
0x24: {  	s3 =	sadd.s32 $0x88, s3;
	s6 =	simm.s32 @!p1 $0x1082;
	[sflag:s4] =	ssyncset.s32 $0xFFFFF086  }
0x25: {  	[simem:s6], [sflag:s4] =	dma.local [hbm:s3], $0xF7A  }
0x26: {  	[smem:$0x3F9D] =	sst s1;
	(tag) =	ssettag s2;
	_ =	strace s9  }
0x27: {  	s1 =	sld [smem:$0x3FAD]  }
0x28: {  	s2 =	sld [smem:$0x3FAE]  }
0x29: {  	s4 =	sld [smem:$0x3FB0]  }
0x2a: {  	p0 =	seq.s32 s5, $0x0;
	s5 =	sld [smem:$0x3FB1]  }
0x2b: {  	s6 =	sld [smem:$0x3FB2]  }
0x2c: {  	s7 =	sld [smem:$0x3FB3]  }
0x2d: {  	s3 =	simm.s32 $0x108;
	s8 =	sld [smem:$0x3FB4]  }
0x2e: {  	s3 =	simm.s32 @!p0 $0x1082;
	s9 =	sld [smem:$0x3FB5]  }
0x2f: {  	lr =	sadd.s32 s0, s3;
	s0 =	sld [smem:$0x3FAC]  }
0x30: {  	s3 =	sld [smem:$0x3FAF]  }
0x31: {  	[smem:$0x3FB8] =	sst s10  }
0x32: {  	s10 =	sld [smem:$0x3FB6];
	_ =	sdelay $0x3  }
0x33: {  	p0 =	seq.s32 s10, $0x1;
	s10 =	sld [smem:$0x3FB8];
	_ =	sdelay $0x3  }
0x34: {  	[smem:$0x3FB8] =	sst s10  }
0x35: {  	s10 =	sld [smem:$0x3FB7];
	_ =	sdelay $0x3  }
0x36: {  	p1 =	seq.s32 s10, $0x1;
	s10 =	sld [smem:$0x3FB8];
	_ =	sdelay $0x3  }
0x37: {  	[smem:$0x3FB8] =	sst s10  }
0x38: {  	s10 =	sld [smem:$0x3FB9]  }
0x39: {  	_ = 	snop;
	(pc) =	sbr.ind lr, $3  }
0x3a: {  	_ = 	snop  }
0x3b: {  	_ = 	snop  }
0x3c: {  	p2 =	seq.s32 s10, $0x1;
	s10 =	sld [smem:$0x3FB8]  }
0x3d: {  	_ =	shalt  }
0x3e: {  	_ =	shalt  }
0x3f: {  	_ =	shalt  }
0x40: {  	_ =	shalt  }
0x41: {  	_ =	shalt  }
0x42: {  	_ =	shalt  }
0x43: {  	_ =	shalt  }
0x44: {  	_ =	shalt  }
0x45: {  	_ =	shalt  }
0x46: {  	_ =	shalt  }
0x47: {  	_ =	shalt  }
0x48: {  	_ =	shalt  }
0x49: {  	_ =	shalt  }
0x4a: {  	_ =	shalt  }
0x4b: {  	_ =	shalt  }
0x4c: {  	_ =	shalt  }
0x4d: {  	_ =	shalt  }
0x4e: {  	_ =	shalt  }
0x4f: {  	_ =	shalt  }
0x50: {  	_ =	shalt  }
0x51: {  	_ =	shalt  }
0x52: {  	_ =	shalt  }
0x53: {  	_ =	shalt  }
0x54: {  	_ =	shalt  }
0x55: {  	_ =	shalt  }
0x56: {  	_ =	shalt  }
0x57: {  	_ =	shalt  }
0x58: {  	_ =	shalt  }
0x59: {  	_ =	shalt  }
0x5a: {  	_ =	shalt  }
0x5b: {  	_ =	shalt  }
0x5c: {  	_ =	shalt  }
0x5d: {  	_ =	shalt  }
0x5e: {  	_ =	shalt  }
0x5f: {  	_ =	shalt  }
0x60: {  	_ =	shalt  }
0x61: {  	_ =	shalt  }
0x62: {  	_ =	shalt  }
0x63: {  	_ =	shalt  }
0x64: {  	_ =	shalt  }
0x65: {  	_ =	shalt  }
0x66: {  	_ =	shalt  }
0x67: {  	_ =	shalt  }
0x68: {  	_ =	shalt  }
0x69: {  	_ =	shalt  }
0x6a: {  	_ =	shalt  }
0x6b: {  	_ =	shalt  }
0x6c: {  	_ =	shalt  }
0x6d: {  	_ =	shalt  }
0x6e: {  	_ =	shalt  }
0x6f: {  	_ =	shalt  }
0x70: {  	_ =	shalt  }
0x71: {  	_ =	shalt  }
0x72: {  	_ =	shalt  }
0x73: {  	_ =	shalt  }
0x74: {  	_ =	shalt  }
0x75: {  	_ =	shalt  }
0x76: {  	_ =	shalt  }
0x77: {  	_ =	shalt  }
0x78: {  	_ =	shalt  }
0x79: {  	_ =	shalt  }
0x7a: {  	_ =	shalt  }
0x7b: {  	_ =	shalt  }
0x7c: {  	_ =	shalt  }
0x7d: {  	_ =	shalt  }
0x7e: {  	_ =	shalt  }
0x7f: {  	_ =	shalt  }
0x80: {  	_ =	shalt  }
0x81: {  	_ =	shalt  }
0x82: {  	_ =	shalt  }
0x83: {  	_ =	shalt  }
0x84: {  	_ =	shalt  }
0x85: {  	_ =	shalt  }
0x86: {  	_ =	shalt  }
0x87: {  	_ =	shalt  }
.Lfunc_end0:
.L_simem_size_0:
called_computation_lowered:
.L_overlay_start_0:
0x88: {  	s2 =	sld [smem:$0x3FD9]  }
0x89: {  	s3 =	sld [smem:$0x3FFE];
	_ =	sdelay $0x1  }
0x8a: {  	s1 =	srdreg.scid  }
0x8b: {  	s0 =	sand.u32 $0x1, s1  }
0x8c: {  	s17 =	sshll.u32 s0, $0xA;
	s2 =	sadd.s32 s3, s2  }
0x8d: {  	s2 =	sadd.s32 s2, s17  }
0x8e: {  	[smem:$0x3FC4] =	sst s2  }
0x8f: {  	_ = 	snop  }
0x90: {  	s2 =	sld [smem:$0x3FD0];
	(tm) =	ssettm $0x1  }
0x91: {  	s18 =	sld [smem:$0x3FFB];
	_ =	sdelay $0x3  }
0x92: {  	_ =	strace s18  }
0x93: {  	s3 =	sld [smem:$0x3FFC];
	_ =	sdelay $0x3  }
0x94: {  	_ =	strace s3  }
0x95: {  	s3 =	sld [smem:$0x3FFD];
	_ =	sdelay $0x3  }
0x96: {  	_ =	strace s3  }
0x97: {  	_ =	strace $0x8FFFFFFF  }
0x98: {  	s19 =	sld [smem:$0x3FDB];
	_ =	sdelay $0x1  }
0x99: {  	s4 =	simm.s32 $_scs_section_size  }
0x9a: {  	s5 =	simm.s32 $_size__tile_overlayer_lowered;
	s6 =	simm.s32 $_tile_overlayer_lowered  }
0x9b: {  	s22 =	simm.s32 $0x1BFF;
	s21 =	sshll.u32 s6, $0x1;
	s3 =	sadd.s32 s4, s19  }
0x9c: {  	s7 =	simm.s32 $0x0;
	s20 =	sshll.u32 s5, $0x1;
	s5 =	sadd.s32 s21, s3  }
0x9d: {  	[timem:s7], [sflag:s22] =	dma.local [hbm:s5], s20  }
0x9e: {  	_ =	swait.ge [sflag:s22], s20  }
0x9f: {  	s4 =	ssub.s32 $0x0, s20;
	[sflag:s22] =	ssyncset.done $0x0  }
0xa0: {  	[sflag:s22] =	ssyncadd.s32 s4;
	_ =	sdelay $0x1  }
0xa1: {  	s23 =	simm.s32 $0x1B8B  }
0xa2: {  	_ =	swait.ge [sflag:s23], $0x1  }
0xa3: {  	[sflag:s23] =	ssyncset.done $0x0  }
0xa4: {  	s25 =	simm.s32 $0x1B8E;
	s24 =	sld [smem:$0x3FFE];
	[sflag:s23] =	ssyncadd.s32 $0xFFFFFFFF  }
0xa5: {  	s26 =	simm.s32 $execute0_lowered;
	[smem:$0x3FD2] =	sst s25  }
0xa6: {  	s5 =	sshll.u32 s26, $0x1;
	_ =	strace $0x80000046;
	[dreg:$0x1] =	wrdreg $0xFFFFFFFF  }
0xa7: {  	s28 =	simm.s32 $_size_execute0_lowered;
	s3 =	sadd.s32 s3, s5;
	[dreg:$0x0] =	wrdreg $0x0  }
0xa8: {  	s5 =	sshll.u32 s28, $0x1;
	[dreg:$0x2] =	wrdreg s3  }
0xa9: {  	[dreg:$0x3] =	wrdreg s5  }
0xaa: {  	[dreg:$0x4] =	wrdreg $0xC0  }
0xab: {  	_ =	task [dreg:s7], $0x5FFFF  }
0xac: {  	[dreg:$0x1] =	wrdreg $0xFFFFFFFF  }
0xad: {  	[dreg:$0x0] =	wrdreg $0x60  }
0xae: {  	[dreg:$0x2] =	wrdreg s2  }
0xaf: {  	[dreg:$0x3] =	wrdreg s24  }
0xb0: {  	[dreg:$0x4] =	wrdreg $0x0  }
0xb1: {  	[dreg:$0x5] =	wrdreg $0x9  }
0xb2: {  	_ =	task.clear_ibuf [dreg:s7], $0x6FFFF;
	_ =	strace $0x90000046  }
0xb3: {  	s29 =	simm.s32 $0x9;
	_ =	strace $0x80000048  }
0xb4: {  	_ =	swait.ge [sflag:s29], $0x1  }
0xb5: {  	[sflag:s29] =	ssyncadd.s32 $0xFFFFFFFF  }
0xb6: {  	_ =	strace $0x90000048  }
0xb7: {  	_ =	sfence  }
0xb8: {  	s30 =	sld [smem:$0x0];
	_ =	sdelay $0x2  }
0xb9: {  	s31 =	sshll.u32 s1, $0xD;
	s1 =	sshrl.u32 s1, $0x2  }
0xba: {  	s3 =	sand.u32 $0x4000, s31;
	s1 =	sadd.s32 s1, s30  }
0xbb: {  	s0 =	sor.u32 s3, s0;
	s1 =	sshll.u32 s1, $0x11  }
0xbc: {  	s0 =	sor.u32 s1, s0  }
0xbd: {  	s0 =	sadd.s32 $0x8F2B, s0  }
0xbe: {  	[sflag:s0] =	ssyncadd.remote.s32 $0x1  }
0xbf: {  	_ =	sfence.sel $0xFFFF  }
0xc0: {  	[dreg:$0x0] =	wrdreg $0xFFFFFFFF;
	(pc) =	sbr.abs _section_cstart, $3  }
0xc1: {  	[dreg:$0x1] =	wrdreg $0xFFFFFFFF  }
0xc2: {  	_ =	task.clear_ibuf [dreg:s7], $0x2FFFF;
	_ =	strace $0x9FFFFFFF  }
0xc3: {  	(tm) =	ssettm $0x7FFFFFFF  }
tec
execute0_lowered:
.L_overlay_start_1:
0x0: {  	(tag) =	ssettag $0x1  }
0x1: {  	s5 =	rddreg [dreg:$0x0]  }
0x2: {  	s4 =	rddreg [dreg:$0x1];
	s1 =	srdreg.scid  }
0x3: {  	s0 =	stileid.u32;
	s2 =	rddreg [dreg:$0x2]  }
0x4: {  	s3 =	simm.s32 $0x0;
	s11 =	simm.s32 $0x80;
	s7 =	smul.u32 $0x2800, s0  }
0x5: {  	s12 =	simm.s32 $0x2880;
	s15 =	simm.s32 $0x0;
	s29 =	smul.u32 $0x50000, s0  }
0x6: {  	s6 =	sand.u32 $0x1, s1;
	s1 =	rddreg [dreg:$0x3];
	s10 =	smul.u32 $0x520, s0  }
0x7: {  	[smem:$0x7FF] =	sst s3;
	s13 =	sshll.u32 s0, $0x6;
	s8 =	smul.u32 $0x28000, s6  }
0x8: {  	_ =	strace $0x80000047;
	s30 =	ssub.s32 $0x2, s6;
	s6 =	smul.u32 $0x5200, s6  }
0x9: {  	s13 =	sor.u32 $0x1C01, s13;
	s9 =	sshrl.u32 s30, $0x1;
	s7 =	sadd.s32 s7, s8  }
0xa: {  	s8 =	sshrl.u32 s29, $0x2;
	s9 =	ssub.s32 s30, s9;
	s31 =	sadd.s32 s6, s5  }
0xb: {  	s7 =	sadd.s32 s7, s4;
	s4 =	sadd.s32 s8, s2;
	s6 =	smax.u32 s9, $0x1  }
0xc: {  	s8 =	simm.s32 $0x6880;
	s9 =	simm.s32 $0x1;
	s5 =	sadd.s32 $0x1C00, s7  }
0xd: {  	v0 =	vimm.f32 $0.0e+00;
	v1 =	vimm.f32 $1.000000000e+00;
	s7 =	sadd.s32 s10, s31;
	s10 =	simm.s32 $0x2800;
	s14 =	sshrl.u32 s4, $0x3  }
.LBB2_1:
0xe: {  	s16 =	simm.s32 $0x200;
	s17 =	simm.s32 $0x0  }
.LBB2_2:
0xf: {  	p0 =	sne.s32 s16, $0x4FE00;
	[tilespmem:s17+$0x6880] =	vst v0;
	s17 =	smov.u32 s16;
	s16 =	sadd.s32 $0x200, s16  }
.Ltmp0:
0x10: {  	(pc) =	sbr.rel @p0 .LBB2_2-.Ltmp0, $2  }
0x11: {  	_ =	sdelay $0x2  }
0x12: {  	s17 =	sshra.s32 s17, $0x2  }
0x13: {  	[tilespmem:s17+$0x6880] =	vst v0  }
0x14: {  	[spmem:s4] =	stream.linear.scatter [tilespmem:s8], [sflag:$0x1], $0x14000, $0x38;
	[tilespmem:$0x1A880] =	vst v63  }
0x15: {  	_ =	swait.ge [sflag:s9], $0x14000  }
0x16: {  	[sflag:s9] =	ssyncset.done $0x0  }
0x17: {  	s16 =	simm.s32 $0x200;
	s17 =	simm.s32 $0x0;
	[sflag:s9] =	ssyncadd.s32 $0xFFFEC000  }
.LBB2_4:
0x18: {  	p0 =	sne.s32 s16, $0xFE00;
	[tilespmem:s17+$0x2880] =	vst v1;
	s17 =	smov.u32 s16;
	s16 =	sadd.s32 $0x200, s16  }
.Ltmp1:
0x19: {  	(pc) =	sbr.rel @p0 .LBB2_4-.Ltmp1, $2  }
0x1a: {  	_ =	sdelay $0x2  }
0x1b: {  	s17 =	sshra.s32 s17, $0x2  }
0x1c: {  	[tilespmem:s17+$0x2880] =	vst v1  }
0x1d: {  	s16 =	sadd.s32 $0x0, s7;
	[bflag:$0x0] =	sbarrier.arrive $0xFFFF  }
0x1e: {  	[tilespmem:s10], [sflag:$0x1] =	stream.linear.gather [hbm4b:s16+s3], $0x80, $0x38;
	[tilespmem:$0x1A880] =	vst v63  }
0x1f: {  	_ =	swait.ge [sflag:s9], $0x80  }
0x20: {  	[sflag:s9] =	ssyncset.done $0x0  }
0x21: {  	[sflag:s9] =	ssyncadd.s32 $0xFFFFFF80  }
0x22: {  	[spmem:s2] =	stream.indirect.scatter.add.f32 [tilespmem:s12], [sflag:$0x1], $0x10, s10, s11, $0xb8;
	[tilespmem:$0x1A880] =	vst v63  }
0x23: {  	_ =	swait.ge [sflag:s9], $0x800  }
0x24: {  	s17 =	simm.s32 $0x20;
	s16 =	simm.s32 $0x10;
	[sflag:s9] =	ssyncset.done $0x0  }
.LBB2_6:
0x25: {  	s18 =	sadd.s32 s16, s7  }
0x26: {  	[sflag:s9] =	ssyncadd.s32 $0xFFFFF800;
	s16 =	smov.u32 s17;
	s19 =	sadd.s32 $0x10, s17  }
0x27: {  	[tilespmem:s10], [sflag:$0x1] =	stream.linear.gather [hbm4b:s18+s3], $0x80, $0x38;
	[tilespmem:$0x1A880] =	vst v63  }
0x28: {  	p0 =	sne.s32 s17, $0x510;
	_ =	swait.ge [sflag:s9], $0x80  }
.Ltmp2:
0x29: {  	[sflag:s9] =	ssyncset.done $0x0;
	(pc) =	sbr.rel @p0 .LBB2_6-.Ltmp2, $4  }
0x2a: {  	[sflag:s9] =	ssyncadd.s32 $0xFFFFFF80  }
0x2b: {  	[spmem:s2] =	stream.indirect.scatter.add.f32 [tilespmem:s12], [sflag:$0x1], $0x10, s10, s11, $0xb8;
	[tilespmem:$0x1A880] =	vst v63  }
0x2c: {  	_ =	swait.ge [sflag:s9], $0x800  }
0x2d: {  	s17 =	smov.u32 s19;
	[sflag:s9] =	ssyncset.done $0x0  }
0x2e: {  	s16 =	sadd.s32 s16, s7;
	[sflag:s9] =	ssyncadd.s32 $0xFFFFF800  }
0x2f: {  	[tilespmem:s10], [sflag:$0x1] =	stream.linear.gather [hbm4b:s16+s3], $0x80, $0x38;
	[tilespmem:$0x1A880] =	vst v63  }
0x30: {  	_ =	swait.ge [sflag:s9], $0x80  }
0x31: {  	[sflag:s9] =	ssyncset.done $0x0  }
0x32: {  	[sflag:s9] =	ssyncadd.s32 $0xFFFFFF80  }
0x33: {  	[spmem:s2] =	stream.indirect.scatter.add.f32 [tilespmem:s12], [sflag:$0x1], $0x10, s10, s11, $0xb8;
	[tilespmem:$0x1A880] =	vst v63  }
0x34: {  	_ =	swait.ge [sflag:s9], $0x800  }
0x35: {  	s15 =	sadd.s32 $0x1, s15;
	[sflag:s9] =	ssyncset.done $0x0  }
0x36: {  	p0 =	sne.s32 s15, s6;
	[sflag:s9] =	ssyncadd.s32 $0xFFFFF800  }
.Ltmp3:
0x37: {  	[bflag:$0x0] =	sbarrier.arrive $0xFFFF;
	(pc) =	sbr.rel @p0 .LBB2_1-.Ltmp3, $4  }
0x38: {  	[hbm:s5], [sflag:s13] =	dma.local [spmem:s14], $0x2800  }
0x39: {  	_ =	swait.ge [sflag:s9], $0x2800  }
0x3a: {  	[sflag:s9] =	ssyncset.done $0x0  }
0x3b: {  	[sflag:s9] =	ssyncadd.s32 $0xFFFFD800  }
0x3c: {  	_ =	sfence.sel $0x180000  }
0x3d: {  	[bflag:$0x0] =	sbarrier.arrive $0xFFFF  }
0x3e: {  	p0 =	sne.s32 s0, $0x0;
	_ =	strace $0x90000047  }
0x3f: {  	s0 =	sadd.s32 @!p0 $0x100000, s1;
	[bflag:$0x2] =	sbarrier.arrive $0xFFFF  }
0x40: {  	[sflag:s0] =	ssyncadd.tile.s32 @!p0 $0x1;
	_ =	shalt  }
.Lfunc_end2:
_tile_overlayer_lowered:
.L_overlay_start_2:
0x41: {  	(tag) =	ssettag $0x2  }
0x42: {  	s0 =	rddreg [dreg:$0x0];
	s2 =	stileid.u32  }
0x43: {  	s1 =	rddreg [dreg:$0x1];
	p0 =	sne.s32 s2, $0x0  }
0x44: {  	s3 =	rddreg [dreg:$0x2];
	[bflag:$0x3] =	sbarrier.arrive $0xFFFF;
	s2 =	simm.s32 @!p0 $0x1C01  }
0x45: {  	[timem:s3], [sflag:s2] =	dma.local @!p0 [hbm:s0], s1  }
0x46: {  	s0 =	simm.s32 @!p0 $0x1  }
0x47: {  	_ =	swait.ge @!p0 [sflag:s0], s1  }
0x48: {  	s1 =	ssub.s32 @!p0 $0x0, s1;
	[sflag:s0] =	ssyncset.done @!p0 $0x0  }
0x49: {  	[sflag:s0] =	ssyncadd.s32 @!p0 s1  }
0x4a: {  	[bflag:$0x3] =	sbarrier.arrive $0xFFFF  }
0x4b: {  	_ =	shalt  }

// kernel: kernel.9.cloned.1.call-start
scs
__scs_entry_jumppad:
0x0: {  	(pc) =	sbr.rel $0x88, $3  }
0x1: {  	(tag) =	ssettag $0x0;
	lr =	simm.s32 $0x1  }
0x2: {  	[smem:$0x3F9D] =	sst lr;
	_ =	strace $0xD0000000  }
0x3: {  	_ = 	snop  }
0x4: {  	_ = 	snop  }
0x5: {  	_ = 	snop  }
0x6: {  	_ = 	snop  }
0x7: {  	_ = 	snop  }
__scs_overlays_trampoline_lowered:
0x8: {  	[smem:$0x3FAC] =	sst s0  }
0x9: {  	[smem:$0x3FAD] =	sst s1  }
0xa: {  	[smem:$0x3FAE] =	sst s2  }
0xb: {  	[smem:$0x3FAF] =	sst s3  }
0xc: {  	[smem:$0x3FB0] =	sst s4  }
0xd: {  	[smem:$0x3FB1] =	sst s5  }
0xe: {  	[smem:$0x3FB2] =	sst s6  }
0xf: {  	[smem:$0x3FB3] =	sst s7  }
0x10: {  	[smem:$0x3FB4] =	sst s8  }
0x11: {  	[smem:$0x3FB5] =	sst s9;
	s0 =	simm.s32 @!p0 $0x0  }
0x12: {  	s1 =	sld [smem:$0x3F9B];
	s0 =	simm.s32 @p0 $0x1  }
0x13: {  	[smem:$0x3FB6] =	sst s0;
	s0 =	simm.s32 @!p1 $0x0  }
0x14: {  	s2 =	sld [smem:$0x3F9A];
	s0 =	simm.s32 @p1 $0x1  }
0x15: {  	[smem:$0x3FB7] =	sst s0;
	s0 =	simm.s32 @!p2 $0x0  }
0x16: {  	s3 =	sld [smem:$0x3FDB];
	s0 =	simm.s32 @p2 $0x1  }
0x17: {  	s4 =	simm.s32 $0x1BF5;
	[smem:$0x3FB9] =	sst s0  }
0x18: {  	s0 =	sld [smem:$0x3F9C];
	_ =	swait.ge [sflag:s4], $0x0  }
0x19: {  	s7 =	sld [smem:$0x3F9D]  }
0x1a: {  	s8 =	sadd.s32 $0xFFFFE003, lr  }
0x1b: {  	s9 =	sadd.s32 $0xFFFFFEF7, lr;
	s5 =	simm.s32 $0xFFFFFFFF;
	p2 =	slt.u32 s8, $0xFFFFF086  }
0x1c: {  	p1 =	slt.u32 s9, $0xF7A;
	s5 =	simm.s32 @!p2 $0x0  }
0x1d: {  	s5 =	simm.s32 @p1 $0x1;
	p0 =	seq.s32 s7, s2  }
0x1e: {  	s7 =	smul.u32 @!p0 $0xF7A, s2;
	p2 =	seq.s32 @!p0 s5, $0x0  }
0x1f: {  	s9 =	smul.u32 $0xF7A, s1;
	s8 =	simm.s32 @!p0 $0x1BF5;
	p2 =	por !p2, p0  }
0x20: {  	[sflag:s8] =	ssyncset.s32 @!p0 $0xFFFFF086;
	s6 =	sadd.s32 @!p0 s3, s7;
	s7 =	simm.s32 @!p0 $0x108  }
0x21: {  	s3 =	sadd.s32 s3, s9;
	s6 =	sadd.s32 @!p0 $0x88, s6;
	s7 =	simm.s32 @p2 $0x1082  }
0x22: {  	[simem:s7], [sflag:s8] =	dma.local @!p0 [hbm:s6], $0xF7A  }
0x23: {  	s9 =	sor.u32 $0xD0000000, s2;
	s6 =	simm.s32 $0x108;
	_ =	swait.ge @!p0 [sflag:s8], $0x0  }
0x24: {  	s3 =	sadd.s32 $0x88, s3;
	s6 =	simm.s32 @!p1 $0x1082;
	[sflag:s4] =	ssyncset.s32 $0xFFFFF086  }
0x25: {  	[simem:s6], [sflag:s4] =	dma.local [hbm:s3], $0xF7A  }
0x26: {  	[smem:$0x3F9D] =	sst s1;
	(tag) =	ssettag s2;
	_ =	strace s9  }
0x27: {  	s1 =	sld [smem:$0x3FAD]  }
0x28: {  	s2 =	sld [smem:$0x3FAE]  }
0x29: {  	s4 =	sld [smem:$0x3FB0]  }
0x2a: {  	p0 =	seq.s32 s5, $0x0;
	s5 =	sld [smem:$0x3FB1]  }
0x2b: {  	s6 =	sld [smem:$0x3FB2]  }
0x2c: {  	s7 =	sld [smem:$0x3FB3]  }
0x2d: {  	s3 =	simm.s32 $0x108;
	s8 =	sld [smem:$0x3FB4]  }
0x2e: {  	s3 =	simm.s32 @!p0 $0x1082;
	s9 =	sld [smem:$0x3FB5]  }
0x2f: {  	lr =	sadd.s32 s0, s3;
	s0 =	sld [smem:$0x3FAC]  }
0x30: {  	s3 =	sld [smem:$0x3FAF]  }
0x31: {  	[smem:$0x3FB8] =	sst s10  }
0x32: {  	s10 =	sld [smem:$0x3FB6];
	_ =	sdelay $0x3  }
0x33: {  	p0 =	seq.s32 s10, $0x1;
	s10 =	sld [smem:$0x3FB8];
	_ =	sdelay $0x3  }
0x34: {  	[smem:$0x3FB8] =	sst s10  }
0x35: {  	s10 =	sld [smem:$0x3FB7];
	_ =	sdelay $0x3  }
0x36: {  	p1 =	seq.s32 s10, $0x1;
	s10 =	sld [smem:$0x3FB8];
	_ =	sdelay $0x3  }
0x37: {  	[smem:$0x3FB8] =	sst s10  }
0x38: {  	s10 =	sld [smem:$0x3FB9]  }
0x39: {  	_ = 	snop;
	(pc) =	sbr.ind lr, $3  }
0x3a: {  	_ = 	snop  }
0x3b: {  	_ = 	snop  }
0x3c: {  	p2 =	seq.s32 s10, $0x1;
	s10 =	sld [smem:$0x3FB8]  }
0x3d: {  	_ =	shalt  }
0x3e: {  	_ =	shalt  }
0x3f: {  	_ =	shalt  }
0x40: {  	_ =	shalt  }
0x41: {  	_ =	shalt  }
0x42: {  	_ =	shalt  }
0x43: {  	_ =	shalt  }
0x44: {  	_ =	shalt  }
0x45: {  	_ =	shalt  }
0x46: {  	_ =	shalt  }
0x47: {  	_ =	shalt  }
0x48: {  	_ =	shalt  }
0x49: {  	_ =	shalt  }
0x4a: {  	_ =	shalt  }
0x4b: {  	_ =	shalt  }
0x4c: {  	_ =	shalt  }
0x4d: {  	_ =	shalt  }
0x4e: {  	_ =	shalt  }
0x4f: {  	_ =	shalt  }
0x50: {  	_ =	shalt  }
0x51: {  	_ =	shalt  }
0x52: {  	_ =	shalt  }
0x53: {  	_ =	shalt  }
0x54: {  	_ =	shalt  }
0x55: {  	_ =	shalt  }
0x56: {  	_ =	shalt  }
0x57: {  	_ =	shalt  }
0x58: {  	_ =	shalt  }
0x59: {  	_ =	shalt  }
0x5a: {  	_ =	shalt  }
0x5b: {  	_ =	shalt  }
0x5c: {  	_ =	shalt  }
0x5d: {  	_ =	shalt  }
0x5e: {  	_ =	shalt  }
0x5f: {  	_ =	shalt  }
0x60: {  	_ =	shalt  }
0x61: {  	_ =	shalt  }
0x62: {  	_ =	shalt  }
0x63: {  	_ =	shalt  }
0x64: {  	_ =	shalt  }
0x65: {  	_ =	shalt  }
0x66: {  	_ =	shalt  }
0x67: {  	_ =	shalt  }
0x68: {  	_ =	shalt  }
0x69: {  	_ =	shalt  }
0x6a: {  	_ =	shalt  }
0x6b: {  	_ =	shalt  }
0x6c: {  	_ =	shalt  }
0x6d: {  	_ =	shalt  }
0x6e: {  	_ =	shalt  }
0x6f: {  	_ =	shalt  }
0x70: {  	_ =	shalt  }
0x71: {  	_ =	shalt  }
0x72: {  	_ =	shalt  }
0x73: {  	_ =	shalt  }
0x74: {  	_ =	shalt  }
0x75: {  	_ =	shalt  }
0x76: {  	_ =	shalt  }
0x77: {  	_ =	shalt  }
0x78: {  	_ =	shalt  }
0x79: {  	_ =	shalt  }
0x7a: {  	_ =	shalt  }
0x7b: {  	_ =	shalt  }
0x7c: {  	_ =	shalt  }
0x7d: {  	_ =	shalt  }
0x7e: {  	_ =	shalt  }
0x7f: {  	_ =	shalt  }
0x80: {  	_ =	shalt  }
0x81: {  	_ =	shalt  }
0x82: {  	_ =	shalt  }
0x83: {  	_ =	shalt  }
0x84: {  	_ =	shalt  }
0x85: {  	_ =	shalt  }
0x86: {  	_ =	shalt  }
0x87: {  	_ =	shalt  }
.Lfunc_end0:
.L_simem_size_0:
called_computation.1_lowered:
.L_overlay_start_0:
0x88: {  	s2 =	sld [smem:$0x3FD9]  }
0x89: {  	s3 =	sld [smem:$0x3FFE];
	_ =	sdelay $0x1  }
0x8a: {  	s1 =	srdreg.scid  }
0x8b: {  	s0 =	sand.u32 $0x1, s1  }
0x8c: {  	s17 =	sshll.u32 s0, $0xA;
	s2 =	sadd.s32 s3, s2  }
0x8d: {  	s2 =	sadd.s32 s2, s17  }
0x8e: {  	[smem:$0x3FC4] =	sst s2  }
0x8f: {  	_ = 	snop  }
0x90: {  	s2 =	sld [smem:$0x3FD0];
	(tm) =	ssettm $0x1  }
0x91: {  	s18 =	sld [smem:$0x3FFB];
	_ =	sdelay $0x3  }
0x92: {  	_ =	strace s18  }
0x93: {  	s3 =	sld [smem:$0x3FFC];
	_ =	sdelay $0x3  }
0x94: {  	_ =	strace s3  }
0x95: {  	s3 =	sld [smem:$0x3FFD];
	_ =	sdelay $0x3  }
0x96: {  	_ =	strace s3  }
0x97: {  	_ =	strace $0x8FFFFFFF  }
0x98: {  	s19 =	sld [smem:$0x3FDB];
	_ =	sdelay $0x1  }
0x99: {  	s4 =	simm.s32 $_scs_section_size  }
0x9a: {  	s5 =	simm.s32 $_size__tile_overlayer_lowered;
	s6 =	simm.s32 $_tile_overlayer_lowered  }
0x9b: {  	s22 =	simm.s32 $0x1BFF;
	s21 =	sshll.u32 s6, $0x1;
	s3 =	sadd.s32 s4, s19  }
0x9c: {  	s7 =	simm.s32 $0x0;
	s20 =	sshll.u32 s5, $0x1;
	s5 =	sadd.s32 s21, s3  }
0x9d: {  	[timem:s7], [sflag:s22] =	dma.local [hbm:s5], s20  }
0x9e: {  	_ =	swait.ge [sflag:s22], s20  }
0x9f: {  	s4 =	ssub.s32 $0x0, s20;
	[sflag:s22] =	ssyncset.done $0x0  }
0xa0: {  	[sflag:s22] =	ssyncadd.s32 s4;
	_ =	sdelay $0x1  }
0xa1: {  	s23 =	simm.s32 $0x1B8B  }
0xa2: {  	_ =	swait.ge [sflag:s23], $0x1  }
0xa3: {  	[sflag:s23] =	ssyncset.done $0x0  }
0xa4: {  	s25 =	simm.s32 $0x1B8E;
	s24 =	sld [smem:$0x3FFE];
	[sflag:s23] =	ssyncadd.s32 $0xFFFFFFFF  }
0xa5: {  	s26 =	simm.s32 $execute0_lowered;
	[smem:$0x3FD2] =	sst s25  }
0xa6: {  	s5 =	sshll.u32 s26, $0x1;
	_ =	strace $0x80000049;
	[dreg:$0x1] =	wrdreg $0xFFFFFFFF  }
0xa7: {  	s28 =	simm.s32 $_size_execute0_lowered;
	s3 =	sadd.s32 s3, s5;
	[dreg:$0x0] =	wrdreg $0x0  }
0xa8: {  	s5 =	sshll.u32 s28, $0x1;
	[dreg:$0x2] =	wrdreg s3  }
0xa9: {  	[dreg:$0x3] =	wrdreg s5  }
0xaa: {  	[dreg:$0x4] =	wrdreg $0xC0  }
0xab: {  	_ =	task [dreg:s7], $0x5FFFF  }
0xac: {  	[dreg:$0x1] =	wrdreg $0xFFFFFFFF  }
0xad: {  	[dreg:$0x0] =	wrdreg $0x60  }
0xae: {  	[dreg:$0x2] =	wrdreg s24  }
0xaf: {  	[dreg:$0x3] =	wrdreg s2  }
0xb0: {  	[dreg:$0x4] =	wrdreg $0x0  }
0xb1: {  	[dreg:$0x5] =	wrdreg $0x9  }
0xb2: {  	_ =	task.clear_ibuf [dreg:s7], $0x6FFFF;
	_ =	strace $0x90000049  }
0xb3: {  	s29 =	simm.s32 $0x9;
	_ =	strace $0x8000004B  }
0xb4: {  	_ =	swait.ge [sflag:s29], $0x1  }
0xb5: {  	[sflag:s29] =	ssyncadd.s32 $0xFFFFFFFF  }
0xb6: {  	_ =	strace $0x9000004B  }
0xb7: {  	_ =	sfence  }
0xb8: {  	s30 =	sld [smem:$0x0];
	_ =	sdelay $0x2  }
0xb9: {  	s31 =	sshll.u32 s1, $0xD;
	s1 =	sshrl.u32 s1, $0x2  }
0xba: {  	s3 =	sand.u32 $0x4000, s31;
	s1 =	sadd.s32 s1, s30  }
0xbb: {  	s0 =	sor.u32 s3, s0;
	s1 =	sshll.u32 s1, $0x11  }
0xbc: {  	s0 =	sor.u32 s1, s0  }
0xbd: {  	s0 =	sadd.s32 $0x8F2B, s0  }
0xbe: {  	[sflag:s0] =	ssyncadd.remote.s32 $0x1  }
0xbf: {  	_ =	sfence.sel $0xFFFF  }
0xc0: {  	[dreg:$0x0] =	wrdreg $0xFFFFFFFF;
	(pc) =	sbr.abs _section_cstart, $3  }
0xc1: {  	[dreg:$0x1] =	wrdreg $0xFFFFFFFF  }
0xc2: {  	_ =	task.clear_ibuf [dreg:s7], $0x2FFFF;
	_ =	strace $0x9FFFFFFF  }
0xc3: {  	(tm) =	ssettm $0x7FFFFFFF  }
tec
execute0_lowered:
.L_overlay_start_1:
0x0: {  	(tag) =	ssettag $0x1  }
0x1: {  	s0 =	rddreg [dreg:$0x0]  }
0x2: {  	s1 =	rddreg [dreg:$0x1]  }
0x3: {  	s3 =	srdreg.scid;
	s10 =	stileid.u32  }
0x4: {  	s2 =	rddreg [dreg:$0x2];
	s14 =	simm.s32 $0x51C00;
	s15 =	simm.s32 $0x5  }
0x5: {  	s16 =	simm.s32 $0xA000;
	s18 =	simm.s32 $0x80;
	s20 =	simm.s32 $0x16400  }
0x6: {  	s22 =	simm.s32 $0x18400;
	s23 =	simm.s32 $0xA180;
	s24 =	simm.s32 $0x1A400  }
0x7: {  	s25 =	simm.s32 $0x1;
	s28 =	simm.s32 $0x3;
	s5 =	smul.u32 $0x1400, s10  }
0x8: {  	s29 =	simm.s32 $0x4;
	s30 =	simm.s32 $0x14200;
	s7 =	smul.u32 $0x28000, s10  }
0x9: {  	s31 =	simm.s32 $0x14280;
	s8 =	sand.u32 $0x1, s3;
	s13 =	smul.u32 $0xA40, s10  }
0xa: {  	s3 =	simm.s32 $0x0;
	s4 =	sadd.s32 $0x66400, s0;
	s6 =	smul.u32 $0x14000, s8  }
0xb: {  	[smem:$0x7FF] =	sst s3;
	s26 =	ssub.s32 $0x2, s8;
	p0 =	seq.s32 s8, $0x0  }
0xc: {  	_ =	strace $0x8000004A;
	s7 =	sshrl.u32 s7, $0x2;
	s9 =	sshrl.u32 s26, $0x1  }
0xd: {  	s14 =	simm.s32 @!p0 $0x5C000;
	s10 =	sadd.s32 s1, s13;
	s1 =	simm.s32 $0x14300  }
0xe: {  	s5 =	sadd.s32 s5, s6;
	s12 =	ssub.s32 s26, s9;
	s26 =	simm.s32 $0x2  }
0xf: {  	s11 =	sadd.s32 s5, s0;
	s5 =	sadd.s32 s7, s2;
	s0 =	sadd.s32 s14, s0  }
0x10: {  	s12 =	smax.u32 s12, $0x1;
	s14 =	simm.s32 $0x14400;
	s6 =	sadd.s32 $0x2000, s5  }
0x11: {  	s7 =	sadd.s32 $0x4000, s5;
	s8 =	sadd.s32 $0x6000, s5;
	s9 =	sadd.s32 $0x8000, s5  }
0x12: {  	v0 =	vimm.f32 $0.0e+00;
	s11 =	sadd.s32 $0x8E400, s11;
	s13 =	sadd.s32 s0, s13;
	s0 =	simm.s32 $0x14380  }
.LBB2_1:
0x13: {  	s19 =	simm.s32 $0x100;
	s17 =	simm.s32 $0x0  }
.LBB2_2:
0x14: {  	p0 =	sne.s32 s19, $0x7F00;
	[tilespmem:s17+$0x14430] =	vst v0;
	s21 =	smov.u32 s19;
	s19 =	sadd.s32 $0x100, s19  }
.Ltmp0:
0x15: {  	[tilespmem:s17+$0x14420] =	vst v0;
	(pc) =	sbr.rel @p0 .LBB2_2-.Ltmp0, $3  }
0x16: {  	[tilespmem:s17+$0x14400] =	vst v0  }
0x17: {  	[tilespmem:s17+$0x14410] =	vst v0;
	_ =	sdelay $0x1  }
0x18: {  	s17 =	sshra.s32 s21, $0x2  }
0x19: {  	[tilespmem:s17+$0x14430] =	vst v0  }
0x1a: {  	[tilespmem:s17+$0x14420] =	vst v0  }
0x1b: {  	[tilespmem:s17+$0x14400] =	vst v0  }
0x1c: {  	[tilespmem:s17+$0x14410] =	vst v0  }
0x1d: {  	[spmem:s5] =	stream.linear.scatter [tilespmem:s14], [sflag:$0x5], $0x2000, $0x38;
	[tilespmem:$0x1C400] =	vst v63  }
0x1e: {  	_ =	swait.ge [sflag:s15], $0x2000  }
0x1f: {  	[sflag:s15] =	ssyncset.done $0x0  }
0x20: {  	[sflag:s15] =	ssyncadd.s32 $0xFFFFE000  }
0x21: {  	[spmem:s6] =	stream.linear.scatter [tilespmem:s14], [sflag:$0x5], $0x2000, $0x38;
	[tilespmem:$0x1C400] =	vst v63  }
0x22: {  	_ =	swait.ge [sflag:s15], $0x2000  }
0x23: {  	[sflag:s15] =	ssyncset.done $0x0  }
0x24: {  	[sflag:s15] =	ssyncadd.s32 $0xFFFFE000  }
0x25: {  	[spmem:s7] =	stream.linear.scatter [tilespmem:s14], [sflag:$0x5], $0x2000, $0x38;
	[tilespmem:$0x1C400] =	vst v63  }
0x26: {  	_ =	swait.ge [sflag:s15], $0x2000  }
0x27: {  	[sflag:s15] =	ssyncset.done $0x0  }
0x28: {  	[sflag:s15] =	ssyncadd.s32 $0xFFFFE000  }
0x29: {  	[spmem:s8] =	stream.linear.scatter [tilespmem:s14], [sflag:$0x5], $0x2000, $0x38;
	[tilespmem:$0x1C400] =	vst v63  }
0x2a: {  	_ =	swait.ge [sflag:s15], $0x2000  }
0x2b: {  	[sflag:s15] =	ssyncset.done $0x0  }
0x2c: {  	[sflag:s15] =	ssyncadd.s32 $0xFFFFE000  }
0x2d: {  	[spmem:s9] =	stream.linear.scatter [tilespmem:s14], [sflag:$0x5], $0x2000, $0x38;
	[tilespmem:$0x1C400] =	vst v63  }
0x2e: {  	_ =	swait.ge [sflag:s15], $0x2000  }
0x2f: {  	[sflag:s15] =	ssyncset.done $0x0  }
0x30: {  	[sflag:s15] =	ssyncadd.s32 $0xFFFFE000  }
0x31: {  	s21 =	simm.s32 $0x0;
	[bflag:$0x0] =	sbarrier.arrive $0xFFFF  }
0x32: {  	[tilespmem:s16], [sflag:$0x5] =	stream.linear.gather [hbm4b:s13+s21], $0x5200, $0x38;
	[tilespmem:$0x1C400] =	vst v63  }
0x33: {  	_ =	swait.ge [sflag:s15], $0x5200  }
0x34: {  	[sflag:s15] =	ssyncset.done $0x0  }
0x35: {  	s19 =	simm.s32 $0xF200;
	[sflag:s15] =	ssyncadd.s32 $0xFFFFAE00  }
0x36: {  	[tilespmem:s19], [sflag:$0x5] =	stream.linear.gather [hbm4b:s10+s21], $0x5200, $0x38;
	[tilespmem:$0x1C400] =	vst v63  }
0x37: {  	_ =	swait.ge [sflag:s15], $0x5200  }
0x38: {  	[sflag:s15] =	ssyncset.done $0x0  }
0x39: {  	[sflag:s15] =	ssyncadd.s32 $0xFFFFAE00  }
0x3a: {  	[tilespmem:s14], [sflag:$0x1] =	stream.indirect.gather [hbm4b:s4+s18], $0x40, s16, s18, $0xb8;
	[tilespmem:$0x1C400] =	vst v63  }
0x3b: {  	s21 =	simm.s32 $0xA080  }
0x3c: {  	[tilespmem:s20], [sflag:$0x2] =	stream.indirect.gather [hbm4b:s4+s18], $0x40, s21, s18, $0xb8;
	[tilespmem:$0x1C400] =	vst v63  }
0x3d: {  	s19 =	simm.s32 $0xA100  }
0x3e: {  	[tilespmem:s22], [sflag:$0x3] =	stream.indirect.gather [hbm4b:s4+s18], $0x40, s19, s18, $0xb8;
	[tilespmem:$0x1C400] =	vst v63  }
0x3f: {  	_ = 	snop  }
0x40: {  	[tilespmem:s24], [sflag:$0x4] =	stream.indirect.gather [hbm4b:s4+s18], $0x40, s23, s18, $0xb8;
	[tilespmem:$0x1C400] =	vst v63  }
0x41: {  	_ =	swait.ge [sflag:s25], $0x2000  }
0x42: {  	[sflag:s25] =	ssyncset.done $0x0  }
0x43: {  	s21 =	simm.s32 $0xF200;
	[sflag:s25] =	ssyncadd.s32 $0xFFFFE000  }
0x44: {  	[spmem:s2] =	stream.indirect.scatter.add.f32 [tilespmem:s14], [sflag:$0x5], $0x40, s21, s18, $0xb8;
	[tilespmem:$0x1C400] =	vst v63  }
0x45: {  	_ =	swait.ge [sflag:s15], $0x2000  }
0x46: {  	[sflag:s15] =	ssyncset.done $0x0  }
0x47: {  	s19 =	simm.s32 $0xA200;
	[sflag:s15] =	ssyncadd.s32 $0xFFFFE000  }
0x48: {  	[tilespmem:s14], [sflag:$0x1] =	stream.indirect.gather [hbm4b:s4+s18], $0x40, s19, s18, $0xb8;
	[tilespmem:$0x1C400] =	vst v63  }
0x49: {  	_ =	swait.ge [sflag:s26], $0x2000  }
0x4a: {  	[sflag:s26] =	ssyncset.done $0x0  }
0x4b: {  	s21 =	simm.s32 $0xF280;
	[sflag:s26] =	ssyncadd.s32 $0xFFFFE000  }
0x4c: {  	[spmem:s2] =	stream.indirect.scatter.add.f32 [tilespmem:s20], [sflag:$0x5], $0x40, s21, s18, $0xb8;
	[tilespmem:$0x1C400] =	vst v63  }
0x4d: {  	_ =	swait.ge [sflag:s15], $0x2000  }
0x4e: {  	[sflag:s15] =	ssyncset.done $0x0  }
0x4f: {  	s19 =	simm.s32 $0xA280;
	[sflag:s15] =	ssyncadd.s32 $0xFFFFE000  }
0x50: {  	[tilespmem:s20], [sflag:$0x2] =	stream.indirect.gather [hbm4b:s4+s18], $0x40, s19, s18, $0xb8;
	[tilespmem:$0x1C400] =	vst v63  }
0x51: {  	_ =	swait.ge [sflag:s28], $0x2000  }
0x52: {  	[sflag:s28] =	ssyncset.done $0x0  }
0x53: {  	s21 =	simm.s32 $0xF300;
	[sflag:s28] =	ssyncadd.s32 $0xFFFFE000  }
0x54: {  	[spmem:s2] =	stream.indirect.scatter.add.f32 [tilespmem:s22], [sflag:$0x5], $0x40, s21, s18, $0xb8;
	[tilespmem:$0x1C400] =	vst v63  }
0x55: {  	_ =	swait.ge [sflag:s15], $0x2000  }
0x56: {  	[sflag:s15] =	ssyncset.done $0x0  }
0x57: {  	s19 =	simm.s32 $0xA300;
	[sflag:s15] =	ssyncadd.s32 $0xFFFFE000  }
0x58: {  	[tilespmem:s22], [sflag:$0x3] =	stream.indirect.gather [hbm4b:s4+s18], $0x40, s19, s18, $0xb8;
	[tilespmem:$0x1C400] =	vst v63  }
0x59: {  	_ =	swait.ge [sflag:s29], $0x2000  }
0x5a: {  	[sflag:s29] =	ssyncset.done $0x0  }
0x5b: {  	s21 =	simm.s32 $0xF380;
	[sflag:s29] =	ssyncadd.s32 $0xFFFFE000  }
0x5c: {  	[spmem:s2] =	stream.indirect.scatter.add.f32 [tilespmem:s24], [sflag:$0x5], $0x40, s21, s18, $0xb8;
	[tilespmem:$0x1C400] =	vst v63  }
0x5d: {  	_ =	swait.ge [sflag:s15], $0x2000  }
0x5e: {  	[sflag:s15] =	ssyncset.done $0x0  }
0x5f: {  	s17 =	simm.s32 $0x800;
	s19 =	simm.s32 $0xA380;
	[sflag:s15] =	ssyncadd.s32 $0xFFFFE000  }
.LBB2_4:
0x60: {  	[tilespmem:s24], [sflag:$0x4] =	stream.indirect.gather [hbm4b:s4+s18], $0x40, s19, s18, $0xb8;
	[tilespmem:$0x1C400] =	vst v63  }
0x61: {  	s19 =	smov.u32 s17  }
0x62: {  	p0 =	sne.s32 s17, $0x13800;
	s17 =	sadd.s32 $0x800, s17;
	_ =	swait.ge [sflag:s25], $0x2000  }
0x63: {  	s19 =	sshra.s32 s19, $0x2;
	[sflag:s25] =	ssyncset.done $0x0  }
0x64: {  	s21 =	sadd.s32 $0xF200, s19;
	[sflag:s25] =	ssyncadd.s32 $0xFFFFE000  }
0x65: {  	[spmem:s2] =	stream.indirect.scatter.add.f32 [tilespmem:s14], [sflag:$0x5], $0x40, s21, s18, $0xb8;
	[tilespmem:$0x1C400] =	vst v63  }
0x66: {  	_ =	swait.ge [sflag:s15], $0x2000  }
0x67: {  	[sflag:s15] =	ssyncset.done $0x0  }
0x68: {  	s21 =	sadd.s32 $0xA200, s19;
	[sflag:s15] =	ssyncadd.s32 $0xFFFFE000  }
0x69: {  	[tilespmem:s14], [sflag:$0x1] =	stream.indirect.gather [hbm4b:s4+s18], $0x40, s21, s18, $0xb8;
	[tilespmem:$0x1C400] =	vst v63  }
0x6a: {  	_ =	swait.ge [sflag:s26], $0x2000  }
0x6b: {  	[sflag:s26] =	ssyncset.done $0x0  }
0x6c: {  	s21 =	sadd.s32 $0xF280, s19;
	[sflag:s26] =	ssyncadd.s32 $0xFFFFE000  }
0x6d: {  	[spmem:s2] =	stream.indirect.scatter.add.f32 [tilespmem:s20], [sflag:$0x5], $0x40, s21, s18, $0xb8;
	[tilespmem:$0x1C400] =	vst v63  }
0x6e: {  	_ =	swait.ge [sflag:s15], $0x2000  }
0x6f: {  	[sflag:s15] =	ssyncset.done $0x0  }
0x70: {  	s21 =	sadd.s32 $0xA280, s19;
	[sflag:s15] =	ssyncadd.s32 $0xFFFFE000  }
0x71: {  	[tilespmem:s20], [sflag:$0x2] =	stream.indirect.gather [hbm4b:s4+s18], $0x40, s21, s18, $0xb8;
	[tilespmem:$0x1C400] =	vst v63  }
0x72: {  	_ =	swait.ge [sflag:s28], $0x2000  }
0x73: {  	[sflag:s28] =	ssyncset.done $0x0  }
0x74: {  	s21 =	sadd.s32 $0xF300, s19;
	[sflag:s28] =	ssyncadd.s32 $0xFFFFE000  }
0x75: {  	[spmem:s2] =	stream.indirect.scatter.add.f32 [tilespmem:s22], [sflag:$0x5], $0x40, s21, s18, $0xb8;
	[tilespmem:$0x1C400] =	vst v63  }
0x76: {  	_ =	swait.ge [sflag:s15], $0x2000  }
0x77: {  	[sflag:s15] =	ssyncset.done $0x0  }
0x78: {  	s21 =	sadd.s32 $0xA300, s19;
	[sflag:s15] =	ssyncadd.s32 $0xFFFFE000  }
0x79: {  	[tilespmem:s22], [sflag:$0x3] =	stream.indirect.gather [hbm4b:s4+s18], $0x40, s21, s18, $0xb8;
	[tilespmem:$0x1C400] =	vst v63  }
0x7a: {  	_ =	swait.ge [sflag:s29], $0x2000  }
0x7b: {  	[sflag:s29] =	ssyncset.done $0x0  }
.Ltmp1:
0x7c: {  	s21 =	sadd.s32 $0xF380, s19;
	[sflag:s29] =	ssyncadd.s32 $0xFFFFE000;
	(pc) =	sbr.rel @p0 .LBB2_4-.Ltmp1, $4  }
0x7d: {  	[spmem:s2] =	stream.indirect.scatter.add.f32 [tilespmem:s24], [sflag:$0x5], $0x40, s21, s18, $0xb8;
	[tilespmem:$0x1C400] =	vst v63  }
0x7e: {  	_ =	swait.ge [sflag:s15], $0x2000  }
0x7f: {  	[sflag:s15] =	ssyncset.done $0x0  }
0x80: {  	s19 =	sadd.s32 $0xA380, s19;
	[sflag:s15] =	ssyncadd.s32 $0xFFFFE000  }
0x81: {  	[tilespmem:s24], [sflag:$0x4] =	stream.indirect.gather [hbm4b:s4+s18], $0x40, s19, s18, $0xb8;
	[tilespmem:$0x1C400] =	vst v63  }
0x82: {  	_ =	swait.ge [sflag:s25], $0x2000  }
0x83: {  	[sflag:s25] =	ssyncset.done $0x0  }
0x84: {  	[sflag:s25] =	ssyncadd.s32 $0xFFFFE000  }
0x85: {  	[spmem:s2] =	stream.indirect.scatter.add.f32 [tilespmem:s14], [sflag:$0x5], $0x40, s30, s18, $0xb8;
	[tilespmem:$0x1C400] =	vst v63  }
0x86: {  	_ =	swait.ge [sflag:s15], $0x2000  }
0x87: {  	[sflag:s15] =	ssyncset.done $0x0  }
0x88: {  	[sflag:s15] =	ssyncadd.s32 $0xFFFFE000  }
0x89: {  	_ =	swait.ge [sflag:s26], $0x2000  }
0x8a: {  	[sflag:s26] =	ssyncset.done $0x0  }
0x8b: {  	[sflag:s26] =	ssyncadd.s32 $0xFFFFE000  }
0x8c: {  	[spmem:s2] =	stream.indirect.scatter.add.f32 [tilespmem:s20], [sflag:$0x5], $0x40, s31, s18, $0xb8;
	[tilespmem:$0x1C400] =	vst v63  }
0x8d: {  	_ =	swait.ge [sflag:s15], $0x2000  }
0x8e: {  	[sflag:s15] =	ssyncset.done $0x0  }
0x8f: {  	[sflag:s15] =	ssyncadd.s32 $0xFFFFE000  }
0x90: {  	_ =	swait.ge [sflag:s28], $0x2000  }
0x91: {  	[sflag:s28] =	ssyncset.done $0x0  }
0x92: {  	[sflag:s28] =	ssyncadd.s32 $0xFFFFE000  }
0x93: {  	[spmem:s2] =	stream.indirect.scatter.add.f32 [tilespmem:s22], [sflag:$0x5], $0x40, s1, s18, $0xb8;
	[tilespmem:$0x1C400] =	vst v63  }
0x94: {  	_ =	swait.ge [sflag:s15], $0x2000  }
0x95: {  	[sflag:s15] =	ssyncset.done $0x0  }
0x96: {  	[sflag:s15] =	ssyncadd.s32 $0xFFFFE000  }
0x97: {  	_ =	swait.ge [sflag:s29], $0x2000  }
0x98: {  	[sflag:s29] =	ssyncset.done $0x0  }
0x99: {  	[sflag:s29] =	ssyncadd.s32 $0xFFFFE000  }
0x9a: {  	[spmem:s2] =	stream.indirect.scatter.add.f32 [tilespmem:s24], [sflag:$0x5], $0x40, s0, s18, $0xb8;
	[tilespmem:$0x1C400] =	vst v63  }
0x9b: {  	s17 =	stileid.u32;
	_ =	swait.ge [sflag:s15], $0x2000  }
0x9c: {  	s21 =	sshrl.u32 s5, $0x3;
	s3 =	sadd.s32 $0x1, s3;
	[sflag:s15] =	ssyncset.done $0x0  }
0x9d: {  	s17 =	sshll.u32 s17, $0x6;
	p0 =	sne.s32 s3, s12;
	[sflag:s15] =	ssyncadd.s32 $0xFFFFE000  }
.Ltmp2:
0x9e: {  	s17 =	sor.u32 $0x1C05, s17;
	[bflag:$0x0] =	sbarrier.arrive $0xFFFF;
	(pc) =	sbr.rel @p0 .LBB2_1-.Ltmp2, $4  }
0x9f: {  	[hbm:s11], [sflag:s17] =	dma.local [spmem:s21], $0x1400  }
0xa0: {  	_ =	swait.ge [sflag:s15], $0x1400  }
0xa1: {  	[sflag:s15] =	ssyncset.done $0x0  }
0xa2: {  	[sflag:s15] =	ssyncadd.s32 $0xFFFFEC00  }
0xa3: {  	_ =	sfence.sel $0x180000  }
0xa4: {  	[bflag:$0x0] =	sbarrier.arrive $0xFFFF  }
0xa5: {  	_ =	strace $0x9000004A  }
0xa6: {  	s0 =	stileid.u32;
	[bflag:$0x2] =	sbarrier.arrive $0xFFFF  }
0xa7: {  	p0 =	sne.s32 s0, $0x0;
	s0 =	rddreg [dreg:$0x3]  }
0xa8: {  	s0 =	sadd.s32 @!p0 $0x100000, s0  }
0xa9: {  	[sflag:s0] =	ssyncadd.tile.s32 @!p0 $0x1;
	_ =	shalt  }
.Lfunc_end2:
_tile_overlayer_lowered:
.L_overlay_start_2:
0xaa: {  	(tag) =	ssettag $0x2  }
0xab: {  	s0 =	rddreg [dreg:$0x0];
	s2 =	stileid.u32  }
0xac: {  	s1 =	rddreg [dreg:$0x1];
	p0 =	sne.s32 s2, $0x0  }
0xad: {  	s3 =	rddreg [dreg:$0x2];
	[bflag:$0x3] =	sbarrier.arrive $0xFFFF;
	s2 =	simm.s32 @!p0 $0x1C05  }
0xae: {  	[timem:s3], [sflag:s2] =	dma.local @!p0 [hbm:s0], s1  }
0xaf: {  	s0 =	simm.s32 @!p0 $0x5  }
0xb0: {  	_ =	swait.ge @!p0 [sflag:s0], s1  }
0xb1: {  	s1 =	ssub.s32 @!p0 $0x0, s1;
	[sflag:s0] =	ssyncset.done @!p0 $0x0  }
0xb2: {  	[sflag:s0] =	ssyncadd.s32 @!p0 s1  }
0xb3: {  	[bflag:$0x3] =	sbarrier.arrive $0xFFFF  }
0xb4: {  	_ =	shalt  }

</sc_bundles>
